<compile_context>
chip_gen: v7x
topology: tpu7x:2x2x1
jax: 0.10.2.dev20260603
libtpu: 0.0.44.dev20260713+nightly
codegen_flags: <defaults>
</compile_context>

<pallas_src>
import functools

import jax
import jax.numpy as jnp
from jax import lax
from jax.experimental import pallas as pl
from jax.experimental.pallas import tpu as pltpu
from jax.experimental.pallas import tpu_sc as plsc

HIDDEN = 128
NC = 2
NS = 16
NW = NC * NS

LANE = 128
K = 5
J = 3


def _make_gather(n_idx_rows):
    rows_per_w = n_idx_rows // NW
    n_groups = rows_per_w // K
    mesh = plsc.VectorSubcoreMesh(core_axis_name="c", subcore_axis_name="s")

    @functools.partial(
        pl.kernel,
        mesh=mesh,
        out_type=jax.ShapeDtypeStruct((n_idx_rows * LANE, HIDDEN), jnp.float32),
        scratch_types=(
            [pltpu.VMEM((LANE,), jnp.int32)] * K
            + [pltpu.VMEM((LANE, HIDDEN), jnp.float32)] * K
            + [pltpu.SemaphoreType.DMA] * (3 * K)
        ),
    )
    def gather_kernel(idx_hbm, table_hbm, out_hbm, *refs):
        wid = lax.axis_index("s") * NC + lax.axis_index("c")
        w_row0 = wid * rows_per_w
        IV = refs[0:K]
        RV = refs[K:2 * K]
        GS = refs[2 * K:3 * K]
        OS = refs[3 * K:4 * K]
        IS = refs[4 * K:5 * K]

        def drain_out(b):
            pltpu.make_async_copy(RV[b], out_hbm.at[pl.ds(0, LANE)],
                                  OS[b]).wait()

        def prefetch_idx(b, row0):
            pltpu.async_copy(idx_hbm.at[row0], IV[b], IS[b])

        def fire_gather(b):
            pltpu.make_async_copy(idx_hbm.at[0], IV[b], IS[b]).wait()
            pltpu.async_copy(table_hbm.at[IV[b]], RV[b], GS[b])

        for b in range(K):
            prefetch_idx(b, w_row0 + b)
        for b in range(J):
            fire_gather(b)

        def group(q, carry):
            for b in range(K):
                g = K * q + b
                bf = (b + J) % K
                if b < K - J:
                    pl.when(q >= 1)(lambda bf=bf: drain_out(bf))
                    fire_gather(bf)
                else:
                    drain_out(bf)
                    pl.when(q < n_groups - 1)(
                        lambda bf=bf: fire_gather(bf))
                pltpu.make_async_copy(table_hbm.at[IV[b]], RV[b],
                                      GS[b]).wait()
                pl.when(q < n_groups - 1)(
                    lambda b=b, g=g: prefetch_idx(b, w_row0 + g + K))
                pltpu.async_copy(
                    RV[b], out_hbm.at[pl.ds((w_row0 + g) * LANE, LANE)],
                    OS[b])
            return carry

        lax.fori_loop(0, n_groups, group, 0)
        for t in range(rows_per_w - (K - J), rows_per_w):
            drain_out(t % K)

    return gather_kernel


def kernel(batch_token_ids, token_embedding):
    b, s = batch_token_ids.shape
    n = b * s
    idx2d = batch_token_ids.reshape(n // LANE, LANE).astype(jnp.int32)
    out = _make_gather(n // LANE)(idx2d, token_embedding)
    return out.reshape(b, s, HIDDEN)

# --- scband reference (transcript-rebuilt; emitter-appended) ---
"""Pipeline reference for scband-common-nertoken-embedding-32873679683893 (READ-ONLY COPY).

The authoritative reference and input builder live on the scoring server;
editing this copy changes nothing except your own understanding.
"""

import jax, jax.numpy as jnp
import numpy as np

VOCAB = 100000
HIDDEN = 128
BATCH = 4096
SEQ = 200

def setup_inputs(seed: int = 0) -> dict:
    key = jax.random.key(seed)
    k_idx, k_tab = jax.random.split(key)
    batch_token_ids = jax.random.randint(k_idx, (BATCH, SEQ), 0, VOCAB, dtype=jnp.int64 if jax.config.jax_enable_x64 else jnp.int32)
    token_embedding = jax.random.normal(k_tab, (VOCAB, HIDDEN), dtype=jnp.float32)
    return {"batch_token_ids": batch_token_ids, "token_embedding": token_embedding}

def reference(batch_token_ids, token_embedding):
    # nn.Embedding lookup: gather rows of the table
    batch_token_emb = jnp.take(token_embedding, batch_token_ids, axis=0)
    # dropout in eval mode is identity (deterministic reference)
    batch_token_out = batch_token_emb
    return batch_token_out

if __name__ == "__main__":
    import jax
    _d = setup_inputs()
    print(jax.jit(kernel)(*tuple(_d.values())))

</pallas_src>

<mosaic_0001>
#map = affine_map<(d0, d1) -> (0, 0)>
module attributes {stable_mosaic.version = 14 : i64} {
  func.func @gather_kernel(%arg0: i32, %arg1: i32, %arg2: memref<6400x128xi32, #tpu.memory_space<hbm>>, %arg3: memref<100000x128xf32, #tpu.memory_space<hbm>>, %arg4: memref<819200x128xf32, #tpu.memory_space<hbm>>, %arg5: memref<128xi32, #tpu.memory_space<vmem>>, %arg6: memref<128xi32, #tpu.memory_space<vmem>>, %arg7: memref<128xi32, #tpu.memory_space<vmem>>, %arg8: memref<128xi32, #tpu.memory_space<vmem>>, %arg9: memref<128xi32, #tpu.memory_space<vmem>>, %arg10: memref<128x128xf32, #tpu.memory_space<vmem>>, %arg11: memref<128x128xf32, #tpu.memory_space<vmem>>, %arg12: memref<128x128xf32, #tpu.memory_space<vmem>>, %arg13: memref<128x128xf32, #tpu.memory_space<vmem>>, %arg14: memref<128x128xf32, #tpu.memory_space<vmem>>, %arg15: memref<!tpu.dma_semaphore, #tpu.memory_space<semaphore_mem>>, %arg16: memref<!tpu.dma_semaphore, #tpu.memory_space<semaphore_mem>>, %arg17: memref<!tpu.dma_semaphore, #tpu.memory_space<semaphore_mem>>, %arg18: memref<!tpu.dma_semaphore, #tpu.memory_space<semaphore_mem>>, %arg19: memref<!tpu.dma_semaphore, #tpu.memory_space<semaphore_mem>>, %arg20: memref<!tpu.dma_semaphore, #tpu.memory_space<semaphore_mem>>, %arg21: memref<!tpu.dma_semaphore, #tpu.memory_space<semaphore_mem>>, %arg22: memref<!tpu.dma_semaphore, #tpu.memory_space<semaphore_mem>>, %arg23: memref<!tpu.dma_semaphore, #tpu.memory_space<semaphore_mem>>, %arg24: memref<!tpu.dma_semaphore, #tpu.memory_space<semaphore_mem>>, %arg25: memref<!tpu.dma_semaphore, #tpu.memory_space<semaphore_mem>>, %arg26: memref<!tpu.dma_semaphore, #tpu.memory_space<semaphore_mem>>, %arg27: memref<!tpu.dma_semaphore, #tpu.memory_space<semaphore_mem>>, %arg28: memref<!tpu.dma_semaphore, #tpu.memory_space<semaphore_mem>>, %arg29: memref<!tpu.dma_semaphore, #tpu.memory_space<semaphore_mem>>) attributes {dimension_semantics = [#tpu.dimension_semantics<core_parallel>, #tpu.dimension_semantics<subcore_parallel>], iteration_bounds = array<i64: 2, 16>, scalar_prefetch = 0 : i64, scratch_operands = 25 : i64, tpu.core_type = #tpu.core_type<sc_vector_subcore>, window_params = [{transform_indices = #map}, {transform_indices = #map}, {transform_indices = #map}]} {
    %mul3A = arith.constant 2 : i32
    %mul3A_0 = arith.muli %arg1, %mul3A : i32
    %add3A = arith.addi %mul3A_0, %arg0 : i32
    %mul3A_1 = arith.constant 200 : i32
    %mul3A_2 = arith.muli %add3A, %mul3A_1 : i32
    %add3A_3 = arith.constant 0 : i32
    %add3A_4 = arith.addi %mul3A_2, %add3A_3 : i32
    %dma_start3A = arith.constant 0 : i32
    %dma_start3A_5 = tpu.memref_slice %arg2[%add3A_4, %dma_start3A] : memref<6400x128xi32, #tpu.memory_space<hbm>> -> memref<1x128xi32, #tpu.memory_space<hbm>>
    %dma_start3A_6 = tpu.memref_squeeze %dma_start3A_5 : memref<1x128xi32, #tpu.memory_space<hbm>> -> memref<128xi32, #tpu.memory_space<hbm>>
    %dma_start3A_7 = arith.constant 0 : i32
    %dma_start3A_8 = tpu.memref_slice %arg2[%add3A_4, %dma_start3A_7] : memref<6400x128xi32, #tpu.memory_space<hbm>> -> memref<1x128xi32, #tpu.memory_space<hbm>>
    %dma_start3A_9 = tpu.memref_squeeze %dma_start3A_8 : memref<1x128xi32, #tpu.memory_space<hbm>> -> memref<128xi32, #tpu.memory_space<hbm>>
    tpu.enqueue_dma source(%dma_start3A_9 : memref<128xi32, #tpu.memory_space<hbm>>) target(%arg5 : memref<128xi32, #tpu.memory_space<vmem>>) target_semaphore(%arg25 : memref<!tpu.dma_semaphore, #tpu.memory_space<semaphore_mem>>)
    %add3A_10 = arith.constant 1 : i32
    %add3A_11 = arith.addi %mul3A_2, %add3A_10 : i32
    %dma_start3A_12 = arith.constant 0 : i32
    %dma_start3A_13 = tpu.memref_slice %arg2[%add3A_11, %dma_start3A_12] : memref<6400x128xi32, #tpu.memory_space<hbm>> -> memref<1x128xi32, #tpu.memory_space<hbm>>
    %dma_start3A_14 = tpu.memref_squeeze %dma_start3A_13 : memref<1x128xi32, #tpu.memory_space<hbm>> -> memref<128xi32, #tpu.memory_space<hbm>>
    %dma_start3A_15 = arith.constant 0 : i32
    %dma_start3A_16 = tpu.memref_slice %arg2[%add3A_11, %dma_start3A_15] : memref<6400x128xi32, #tpu.memory_space<hbm>> -> memref<1x128xi32, #tpu.memory_space<hbm>>
    %dma_start3A_17 = tpu.memref_squeeze %dma_start3A_16 : memref<1x128xi32, #tpu.memory_space<hbm>> -> memref<128xi32, #tpu.memory_space<hbm>>
    tpu.enqueue_dma source(%dma_start3A_17 : memref<128xi32, #tpu.memory_space<hbm>>) target(%arg6 : memref<128xi32, #tpu.memory_space<vmem>>) target_semaphore(%arg26 : memref<!tpu.dma_semaphore, #tpu.memory_space<semaphore_mem>>)
    %add3A_18 = arith.constant 2 : i32
    %add3A_19 = arith.addi %mul3A_2, %add3A_18 : i32
    %dma_start3A_20 = arith.constant 0 : i32
    %dma_start3A_21 = tpu.memref_slice %arg2[%add3A_19, %dma_start3A_20] : memref<6400x128xi32, #tpu.memory_space<hbm>> -> memref<1x128xi32, #tpu.memory_space<hbm>>
    %dma_start3A_22 = tpu.memref_squeeze %dma_start3A_21 : memref<1x128xi32, #tpu.memory_space<hbm>> -> memref<128xi32, #tpu.memory_space<hbm>>
    %dma_start3A_23 = arith.constant 0 : i32
    %dma_start3A_24 = tpu.memref_slice %arg2[%add3A_19, %dma_start3A_23] : memref<6400x128xi32, #tpu.memory_space<hbm>> -> memref<1x128xi32, #tpu.memory_space<hbm>>
    %dma_start3A_25 = tpu.memref_squeeze %dma_start3A_24 : memref<1x128xi32, #tpu.memory_space<hbm>> -> memref<128xi32, #tpu.memory_space<hbm>>
    tpu.enqueue_dma source(%dma_start3A_25 : memref<128xi32, #tpu.memory_space<hbm>>) target(%arg7 : memref<128xi32, #tpu.memory_space<vmem>>) target_semaphore(%arg27 : memref<!tpu.dma_semaphore, #tpu.memory_space<semaphore_mem>>)
    %add3A_26 = arith.constant 3 : i32
    %add3A_27 = arith.addi %mul3A_2, %add3A_26 : i32
    %dma_start3A_28 = arith.constant 0 : i32
    %dma_start3A_29 = tpu.memref_slice %arg2[%add3A_27, %dma_start3A_28] : memref<6400x128xi32, #tpu.memory_space<hbm>> -> memref<1x128xi32, #tpu.memory_space<hbm>>
    %dma_start3A_30 = tpu.memref_squeeze %dma_start3A_29 : memref<1x128xi32, #tpu.memory_space<hbm>> -> memref<128xi32, #tpu.memory_space<hbm>>
    %dma_start3A_31 = arith.constant 0 : i32
    %dma_start3A_32 = tpu.memref_slice %arg2[%add3A_27, %dma_start3A_31] : memref<6400x128xi32, #tpu.memory_space<hbm>> -> memref<1x128xi32, #tpu.memory_space<hbm>>
    %dma_start3A_33 = tpu.memref_squeeze %dma_start3A_32 : memref<1x128xi32, #tpu.memory_space<hbm>> -> memref<128xi32, #tpu.memory_space<hbm>>
    tpu.enqueue_dma source(%dma_start3A_33 : memref<128xi32, #tpu.memory_space<hbm>>) target(%arg8 : memref<128xi32, #tpu.memory_space<vmem>>) target_semaphore(%arg28 : memref<!tpu.dma_semaphore, #tpu.memory_space<semaphore_mem>>)
    %add3A_34 = arith.constant 4 : i32
    %add3A_35 = arith.addi %mul3A_2, %add3A_34 : i32
    %dma_start3A_36 = arith.constant 0 : i32
    %dma_start3A_37 = tpu.memref_slice %arg2[%add3A_35, %dma_start3A_36] : memref<6400x128xi32, #tpu.memory_space<hbm>> -> memref<1x128xi32, #tpu.memory_space<hbm>>
    %dma_start3A_38 = tpu.memref_squeeze %dma_start3A_37 : memref<1x128xi32, #tpu.memory_space<hbm>> -> memref<128xi32, #tpu.memory_space<hbm>>
    %dma_start3A_39 = arith.constant 0 : i32
    %dma_start3A_40 = tpu.memref_slice %arg2[%add3A_35, %dma_start3A_39] : memref<6400x128xi32, #tpu.memory_space<hbm>> -> memref<1x128xi32, #tpu.memory_space<hbm>>
    %dma_start3A_41 = tpu.memref_squeeze %dma_start3A_40 : memref<1x128xi32, #tpu.memory_space<hbm>> -> memref<128xi32, #tpu.memory_space<hbm>>
    tpu.enqueue_dma source(%dma_start3A_41 : memref<128xi32, #tpu.memory_space<hbm>>) target(%arg9 : memref<128xi32, #tpu.memory_space<vmem>>) target_semaphore(%arg29 : memref<!tpu.dma_semaphore, #tpu.memory_space<semaphore_mem>>)
    %dma_wait3A = arith.constant 0 : i32
    %dma_wait3A_42 = arith.constant 0 : i32
    %dma_wait3A_43 = tpu.memref_slice %arg2[%dma_wait3A, %dma_wait3A_42] : memref<6400x128xi32, #tpu.memory_space<hbm>> -> memref<1x128xi32, #tpu.memory_space<hbm>>
    %dma_wait3A_44 = tpu.memref_squeeze %dma_wait3A_43 : memref<1x128xi32, #tpu.memory_space<hbm>> -> memref<128xi32, #tpu.memory_space<hbm>>
    %dma_wait3A_45 = arith.constant 0 : i32
    %dma_wait3A_46 = tpu.memref_slice %arg2[%dma_wait3A, %dma_wait3A_45] : memref<6400x128xi32, #tpu.memory_space<hbm>> -> memref<1x128xi32, #tpu.memory_space<hbm>>
    %dma_wait3A_47 = tpu.memref_squeeze %dma_wait3A_46 : memref<1x128xi32, #tpu.memory_space<hbm>> -> memref<128xi32, #tpu.memory_space<hbm>>
    tpu.wait_dma2 semaphore(%arg25 : memref<!tpu.dma_semaphore, #tpu.memory_space<semaphore_mem>>) src(%dma_wait3A_47 : memref<128xi32, #tpu.memory_space<hbm>>) dst(%arg5 : memref<128xi32, #tpu.memory_space<vmem>>)
    %dma_start3A_48 = arith.constant 0 : i32
    %dma_start3A_49 = arith.constant 0 : i32
    %dma_start3A_50 = tpu.memref_slice %arg3[%dma_start3A_48, %dma_start3A_49] : memref<100000x128xf32, #tpu.memory_space<hbm>> -> memref<100000x128xf32, #tpu.memory_space<hbm>>
    tpu.enqueue_indirect_dma source(%dma_start3A_50 : memref<100000x128xf32, #tpu.memory_space<hbm>>) target(%arg10 : memref<128x128xf32, #tpu.memory_space<vmem>>) offsets(%arg5 : memref<128xi32, #tpu.memory_space<vmem>>) semaphore(%arg15 : memref<!tpu.dma_semaphore, #tpu.memory_space<semaphore_mem>>)
    %dma_wait3A_51 = arith.constant 0 : i32
    %dma_wait3A_52 = arith.constant 0 : i32
    %dma_wait3A_53 = tpu.memref_slice %arg2[%dma_wait3A_51, %dma_wait3A_52] : memref<6400x128xi32, #tpu.memory_space<hbm>> -> memref<1x128xi32, #tpu.memory_space<hbm>>
    %dma_wait3A_54 = tpu.memref_squeeze %dma_wait3A_53 : memref<1x128xi32, #tpu.memory_space<hbm>> -> memref<128xi32, #tpu.memory_space<hbm>>
    %dma_wait3A_55 = arith.constant 0 : i32
    %dma_wait3A_56 = tpu.memref_slice %arg2[%dma_wait3A_51, %dma_wait3A_55] : memref<6400x128xi32, #tpu.memory_space<hbm>> -> memref<1x128xi32, #tpu.memory_space<hbm>>
    %dma_wait3A_57 = tpu.memref_squeeze %dma_wait3A_56 : memref<1x128xi32, #tpu.memory_space<hbm>> -> memref<128xi32, #tpu.memory_space<hbm>>
    tpu.wait_dma2 semaphore(%arg26 : memref<!tpu.dma_semaphore, #tpu.memory_space<semaphore_mem>>) src(%dma_wait3A_57 : memref<128xi32, #tpu.memory_space<hbm>>) dst(%arg6 : memref<128xi32, #tpu.memory_space<vmem>>)
    %dma_start3A_58 = arith.constant 0 : i32
    %dma_start3A_59 = arith.constant 0 : i32
    %dma_start3A_60 = tpu.memref_slice %arg3[%dma_start3A_58, %dma_start3A_59] : memref<100000x128xf32, #tpu.memory_space<hbm>> -> memref<100000x128xf32, #tpu.memory_space<hbm>>
    tpu.enqueue_indirect_dma source(%dma_start3A_60 : memref<100000x128xf32, #tpu.memory_space<hbm>>) target(%arg11 : memref<128x128xf32, #tpu.memory_space<vmem>>) offsets(%arg6 : memref<128xi32, #tpu.memory_space<vmem>>) semaphore(%arg16 : memref<!tpu.dma_semaphore, #tpu.memory_space<semaphore_mem>>)
    %dma_wait3A_61 = arith.constant 0 : i32
    %dma_wait3A_62 = arith.constant 0 : i32
    %dma_wait3A_63 = tpu.memref_slice %arg2[%dma_wait3A_61, %dma_wait3A_62] : memref<6400x128xi32, #tpu.memory_space<hbm>> -> memref<1x128xi32, #tpu.memory_space<hbm>>
    %dma_wait3A_64 = tpu.memref_squeeze %dma_wait3A_63 : memref<1x128xi32, #tpu.memory_space<hbm>> -> memref<128xi32, #tpu.memory_space<hbm>>
    %dma_wait3A_65 = arith.constant 0 : i32
    %dma_wait3A_66 = tpu.memref_slice %arg2[%dma_wait3A_61, %dma_wait3A_65] : memref<6400x128xi32, #tpu.memory_space<hbm>> -> memref<1x128xi32, #tpu.memory_space<hbm>>
    %dma_wait3A_67 = tpu.memref_squeeze %dma_wait3A_66 : memref<1x128xi32, #tpu.memory_space<hbm>> -> memref<128xi32, #tpu.memory_space<hbm>>
    tpu.wait_dma2 semaphore(%arg27 : memref<!tpu.dma_semaphore, #tpu.memory_space<semaphore_mem>>) src(%dma_wait3A_67 : memref<128xi32, #tpu.memory_space<hbm>>) dst(%arg7 : memref<128xi32, #tpu.memory_space<vmem>>)
    %dma_start3A_68 = arith.constant 0 : i32
    %dma_start3A_69 = arith.constant 0 : i32
    %dma_start3A_70 = tpu.memref_slice %arg3[%dma_start3A_68, %dma_start3A_69] : memref<100000x128xf32, #tpu.memory_space<hbm>> -> memref<100000x128xf32, #tpu.memory_space<hbm>>
    tpu.enqueue_indirect_dma source(%dma_start3A_70 : memref<100000x128xf32, #tpu.memory_space<hbm>>) target(%arg12 : memref<128x128xf32, #tpu.memory_space<vmem>>) offsets(%arg7 : memref<128xi32, #tpu.memory_space<vmem>>) semaphore(%arg17 : memref<!tpu.dma_semaphore, #tpu.memory_space<semaphore_mem>>)
    %scan3A = arith.constant 0 : i32
    %scan3A_71 = arith.constant 0 : i32
    %scan3A_72 = arith.constant 40 : i32
    %scan3A_73 = arith.addi %scan3A_71, %scan3A_72 : i32
    %scan3A_74 = arith.constant 1 : i32
    scf.for %scan3A_88 = %scan3A_71 to %scan3A_73 step %scan3A_74  : i32 {
      %mul3A_89 = arith.constant 5 : i32
      %mul3A_90 = arith.muli %mul3A_89, %scan3A_88 : i32
      %add3A_91 = arith.constant 0 : i32
      %add3A_92 = arith.addi %mul3A_90, %add3A_91 : i32
      %ge3A = arith.constant 1 : i32
      %ge3A_93 = arith.cmpi sge, %scan3A_88, %ge3A : i32
      %convert_element_type3A = arith.extui %ge3A_93 : i1 to i32
      %cond3A = arith.constant 0 : i32
      %cond3A_94 = arith.cmpi ne, %convert_element_type3A, %cond3A : i32
      scf.if %cond3A_94 {
        %dma_wait3A_243 = arith.constant 0 : i32
        %dma_wait3A_244 = arith.constant 0 : i32
        %dma_wait3A_245 = tpu.memref_slice %arg4[%dma_wait3A_243, %dma_wait3A_244] : memref<819200x128xf32, #tpu.memory_space<hbm>> -> memref<128x128xf32, #tpu.memory_space<hbm>>
        %dma_wait3A_246 = arith.constant 0 : i32
        %dma_wait3A_247 = arith.constant 0 : i32
        %dma_wait3A_248 = tpu.memref_slice %arg4[%dma_wait3A_246, %dma_wait3A_247] : memref<819200x128xf32, #tpu.memory_space<hbm>> -> memref<128x128xf32, #tpu.memory_space<hbm>>
        tpu.wait_dma2 semaphore(%arg23 : memref<!tpu.dma_semaphore, #tpu.memory_space<semaphore_mem>>) src(%arg13 : memref<128x128xf32, #tpu.memory_space<vmem>>) dst(%dma_wait3A_248 : memref<128x128xf32, #tpu.memory_space<hbm>>)
      } else {
      }
      %dma_wait3A_95 = arith.constant 0 : i32
      %dma_wait3A_96 = arith.constant 0 : i32
      %dma_wait3A_97 = tpu.memref_slice %arg2[%dma_wait3A_95, %dma_wait3A_96] : memref<6400x128xi32, #tpu.memory_space<hbm>> -> memref<1x128xi32, #tpu.memory_space<hbm>>
      %dma_wait3A_98 = tpu.memref_squeeze %dma_wait3A_97 : memref<1x128xi32, #tpu.memory_space<hbm>> -> memref<128xi32, #tpu.memory_space<hbm>>
      %dma_wait3A_99 = arith.constant 0 : i32
      %dma_wait3A_100 = tpu.memref_slice %arg2[%dma_wait3A_95, %dma_wait3A_99] : memref<6400x128xi32, #tpu.memory_space<hbm>> -> memref<1x128xi32, #tpu.memory_space<hbm>>
      %dma_wait3A_101 = tpu.memref_squeeze %dma_wait3A_100 : memref<1x128xi32, #tpu.memory_space<hbm>> -> memref<128xi32, #tpu.memory_space<hbm>>
      tpu.wait_dma2 semaphore(%arg28 : memref<!tpu.dma_semaphore, #tpu.memory_space<semaphore_mem>>) src(%dma_wait3A_101 : memref<128xi32, #tpu.memory_space<hbm>>) dst(%arg8 : memref<128xi32, #tpu.memory_space<vmem>>)
      %dma_start3A_102 = arith.constant 0 : i32
      %dma_start3A_103 = arith.constant 0 : i32
      %dma_start3A_104 = tpu.memref_slice %arg3[%dma_start3A_102, %dma_start3A_103] : memref<100000x128xf32, #tpu.memory_space<hbm>> -> memref<100000x128xf32, #tpu.memory_space<hbm>>
      tpu.enqueue_indirect_dma source(%dma_start3A_104 : memref<100000x128xf32, #tpu.memory_space<hbm>>) target(%arg13 : memref<128x128xf32, #tpu.memory_space<vmem>>) offsets(%arg8 : memref<128xi32, #tpu.memory_space<vmem>>) semaphore(%arg18 : memref<!tpu.dma_semaphore, #tpu.memory_space<semaphore_mem>>)
      %dma_wait3A_105 = arith.constant 0 : i32
      %dma_wait3A_106 = arith.constant 0 : i32
      %dma_wait3A_107 = tpu.memref_slice %arg3[%dma_wait3A_105, %dma_wait3A_106] : memref<100000x128xf32, #tpu.memory_space<hbm>> -> memref<100000x128xf32, #tpu.memory_space<hbm>>
      tpu.wait_indirect_dma semaphore(%arg15 : memref<!tpu.dma_semaphore, #tpu.memory_space<semaphore_mem>>) src(%dma_wait3A_107 : memref<100000x128xf32, #tpu.memory_space<hbm>>) dst(%arg10 : memref<128x128xf32, #tpu.memory_space<vmem>>)
      %lt3A = arith.constant 39 : i32
      %lt3A_108 = arith.cmpi slt, %scan3A_88, %lt3A : i32
      %convert_element_type3A_109 = arith.extui %lt3A_108 : i1 to i32
      %cond3A_110 = arith.constant 0 : i32
      %cond3A_111 = arith.cmpi ne, %convert_element_type3A_109, %cond3A_110 : i32
      scf.if %cond3A_111 {
        %add3A_243 = arith.addi %mul3A_2, %add3A_92 : i32
        %add3A_244 = arith.constant 5 : i32
        %add3A_245 = arith.addi %add3A_243, %add3A_244 : i32
        %dma_start3A_246 = arith.constant 0 : i32
        %dma_start3A_247 = tpu.memref_slice %arg2[%add3A_245, %dma_start3A_246] : memref<6400x128xi32, #tpu.memory_space<hbm>> -> memref<1x128xi32, #tpu.memory_space<hbm>>
        %dma_start3A_248 = tpu.memref_squeeze %dma_start3A_247 : memref<1x128xi32, #tpu.memory_space<hbm>> -> memref<128xi32, #tpu.memory_space<hbm>>
        %dma_start3A_249 = arith.constant 0 : i32
        %dma_start3A_250 = tpu.memref_slice %arg2[%add3A_245, %dma_start3A_249] : memref<6400x128xi32, #tpu.memory_space<hbm>> -> memref<1x128xi32, #tpu.memory_space<hbm>>
        %dma_start3A_251 = tpu.memref_squeeze %dma_start3A_250 : memref<1x128xi32, #tpu.memory_space<hbm>> -> memref<128xi32, #tpu.memory_space<hbm>>
        tpu.enqueue_dma source(%dma_start3A_251 : memref<128xi32, #tpu.memory_space<hbm>>) target(%arg5 : memref<128xi32, #tpu.memory_space<vmem>>) target_semaphore(%arg25 : memref<!tpu.dma_semaphore, #tpu.memory_space<semaphore_mem>>)
      } else {
      }
      %add3A_112 = arith.addi %mul3A_2, %add3A_92 : i32
      %mul3A_113 = arith.constant 128 : i32
      %mul3A_114 = arith.muli %add3A_112, %mul3A_113 : i32
      %dma_start3A_115 = arith.constant 0 : i32
      %dma_start3A_116 = tpu.memref_slice %arg4[%mul3A_114, %dma_start3A_115] : memref<819200x128xf32, #tpu.memory_space<hbm>> -> memref<128x128xf32, #tpu.memory_space<hbm>>
      %dma_start3A_117 = arith.constant 0 : i32
      %dma_start3A_118 = tpu.memref_slice %arg4[%mul3A_114, %dma_start3A_117] : memref<819200x128xf32, #tpu.memory_space<hbm>> -> memref<128x128xf32, #tpu.memory_space<hbm>>
      tpu.enqueue_dma source(%arg10 : memref<128x128xf32, #tpu.memory_space<vmem>>) target(%dma_start3A_118 : memref<128x128xf32, #tpu.memory_space<hbm>>) target_semaphore(%arg20 : memref<!tpu.dma_semaphore, #tpu.memory_space<semaphore_mem>>)
      %mul3A_119 = arith.constant 5 : i32
      %mul3A_120 = arith.muli %mul3A_119, %scan3A_88 : i32
      %add3A_121 = arith.constant 1 : i32
      %add3A_122 = arith.addi %mul3A_120, %add3A_121 : i32
      %ge3A_123 = arith.constant 1 : i32
      %ge3A_124 = arith.cmpi sge, %scan3A_88, %ge3A_123 : i32
      %convert_element_type3A_125 = arith.extui %ge3A_124 : i1 to i32
      %cond3A_126 = arith.constant 0 : i32
      %cond3A_127 = arith.cmpi ne, %convert_element_type3A_125, %cond3A_126 : i32
      scf.if %cond3A_127 {
        %dma_wait3A_243 = arith.constant 0 : i32
        %dma_wait3A_244 = arith.constant 0 : i32
        %dma_wait3A_245 = tpu.memref_slice %arg4[%dma_wait3A_243, %dma_wait3A_244] : memref<819200x128xf32, #tpu.memory_space<hbm>> -> memref<128x128xf32, #tpu.memory_space<hbm>>
        %dma_wait3A_246 = arith.constant 0 : i32
        %dma_wait3A_247 = arith.constant 0 : i32
        %dma_wait3A_248 = tpu.memref_slice %arg4[%dma_wait3A_246, %dma_wait3A_247] : memref<819200x128xf32, #tpu.memory_space<hbm>> -> memref<128x128xf32, #tpu.memory_space<hbm>>
        tpu.wait_dma2 semaphore(%arg24 : memref<!tpu.dma_semaphore, #tpu.memory_space<semaphore_mem>>) src(%arg14 : memref<128x128xf32, #tpu.memory_space<vmem>>) dst(%dma_wait3A_248 : memref<128x128xf32, #tpu.memory_space<hbm>>)
      } else {
      }
      %dma_wait3A_128 = arith.constant 0 : i32
      %dma_wait3A_129 = arith.constant 0 : i32
      %dma_wait3A_130 = tpu.memref_slice %arg2[%dma_wait3A_128, %dma_wait3A_129] : memref<6400x128xi32, #tpu.memory_space<hbm>> -> memref<1x128xi32, #tpu.memory_space<hbm>>
      %dma_wait3A_131 = tpu.memref_squeeze %dma_wait3A_130 : memref<1x128xi32, #tpu.memory_space<hbm>> -> memref<128xi32, #tpu.memory_space<hbm>>
      %dma_wait3A_132 = arith.constant 0 : i32
      %dma_wait3A_133 = tpu.memref_slice %arg2[%dma_wait3A_128, %dma_wait3A_132] : memref<6400x128xi32, #tpu.memory_space<hbm>> -> memref<1x128xi32, #tpu.memory_space<hbm>>
      %dma_wait3A_134 = tpu.memref_squeeze %dma_wait3A_133 : memref<1x128xi32, #tpu.memory_space<hbm>> -> memref<128xi32, #tpu.memory_space<hbm>>
      tpu.wait_dma2 semaphore(%arg29 : memref<!tpu.dma_semaphore, #tpu.memory_space<semaphore_mem>>) src(%dma_wait3A_134 : memref<128xi32, #tpu.memory_space<hbm>>) dst(%arg9 : memref<128xi32, #tpu.memory_space<vmem>>)
      %dma_start3A_135 = arith.constant 0 : i32
      %dma_start3A_136 = arith.constant 0 : i32
      %dma_start3A_137 = tpu.memref_slice %arg3[%dma_start3A_135, %dma_start3A_136] : memref<100000x128xf32, #tpu.memory_space<hbm>> -> memref<100000x128xf32, #tpu.memory_space<hbm>>
      tpu.enqueue_indirect_dma source(%dma_start3A_137 : memref<100000x128xf32, #tpu.memory_space<hbm>>) target(%arg14 : memref<128x128xf32, #tpu.memory_space<vmem>>) offsets(%arg9 : memref<128xi32, #tpu.memory_space<vmem>>) semaphore(%arg19 : memref<!tpu.dma_semaphore, #tpu.memory_space<semaphore_mem>>)
      %dma_wait3A_138 = arith.constant 0 : i32
      %dma_wait3A_139 = arith.constant 0 : i32
      %dma_wait3A_140 = tpu.memref_slice %arg3[%dma_wait3A_138, %dma_wait3A_139] : memref<100000x128xf32, #tpu.memory_space<hbm>> -> memref<100000x128xf32, #tpu.memory_space<hbm>>
      tpu.wait_indirect_dma semaphore(%arg16 : memref<!tpu.dma_semaphore, #tpu.memory_space<semaphore_mem>>) src(%dma_wait3A_140 : memref<100000x128xf32, #tpu.memory_space<hbm>>) dst(%arg11 : memref<128x128xf32, #tpu.memory_space<vmem>>)
      %lt3A_141 = arith.constant 39 : i32
      %lt3A_142 = arith.cmpi slt, %scan3A_88, %lt3A_141 : i32
      %convert_element_type3A_143 = arith.extui %lt3A_142 : i1 to i32
      %cond3A_144 = arith.constant 0 : i32
      %cond3A_145 = arith.cmpi ne, %convert_element_type3A_143, %cond3A_144 : i32
      scf.if %cond3A_145 {
        %add3A_243 = arith.addi %mul3A_2, %add3A_122 : i32
        %add3A_244 = arith.constant 5 : i32
        %add3A_245 = arith.addi %add3A_243, %add3A_244 : i32
        %dma_start3A_246 = arith.constant 0 : i32
        %dma_start3A_247 = tpu.memref_slice %arg2[%add3A_245, %dma_start3A_246] : memref<6400x128xi32, #tpu.memory_space<hbm>> -> memref<1x128xi32, #tpu.memory_space<hbm>>
        %dma_start3A_248 = tpu.memref_squeeze %dma_start3A_247 : memref<1x128xi32, #tpu.memory_space<hbm>> -> memref<128xi32, #tpu.memory_space<hbm>>
        %dma_start3A_249 = arith.constant 0 : i32
        %dma_start3A_250 = tpu.memref_slice %arg2[%add3A_245, %dma_start3A_249] : memref<6400x128xi32, #tpu.memory_space<hbm>> -> memref<1x128xi32, #tpu.memory_space<hbm>>
        %dma_start3A_251 = tpu.memref_squeeze %dma_start3A_250 : memref<1x128xi32, #tpu.memory_space<hbm>> -> memref<128xi32, #tpu.memory_space<hbm>>
        tpu.enqueue_dma source(%dma_start3A_251 : memref<128xi32, #tpu.memory_space<hbm>>) target(%arg6 : memref<128xi32, #tpu.memory_space<vmem>>) target_semaphore(%arg26 : memref<!tpu.dma_semaphore, #tpu.memory_space<semaphore_mem>>)
      } else {
      }
      %add3A_146 = arith.addi %mul3A_2, %add3A_122 : i32
      %mul3A_147 = arith.constant 128 : i32
      %mul3A_148 = arith.muli %add3A_146, %mul3A_147 : i32
      %dma_start3A_149 = arith.constant 0 : i32
      %dma_start3A_150 = tpu.memref_slice %arg4[%mul3A_148, %dma_start3A_149] : memref<819200x128xf32, #tpu.memory_space<hbm>> -> memref<128x128xf32, #tpu.memory_space<hbm>>
      %dma_start3A_151 = arith.constant 0 : i32
      %dma_start3A_152 = tpu.memref_slice %arg4[%mul3A_148, %dma_start3A_151] : memref<819200x128xf32, #tpu.memory_space<hbm>> -> memref<128x128xf32, #tpu.memory_space<hbm>>
      tpu.enqueue_dma source(%arg11 : memref<128x128xf32, #tpu.memory_space<vmem>>) target(%dma_start3A_152 : memref<128x128xf32, #tpu.memory_space<hbm>>) target_semaphore(%arg21 : memref<!tpu.dma_semaphore, #tpu.memory_space<semaphore_mem>>)
      %mul3A_153 = arith.constant 5 : i32
      %mul3A_154 = arith.muli %mul3A_153, %scan3A_88 : i32
      %add3A_155 = arith.constant 2 : i32
      %add3A_156 = arith.addi %mul3A_154, %add3A_155 : i32
      %dma_wait3A_157 = arith.constant 0 : i32
      %dma_wait3A_158 = arith.constant 0 : i32
      %dma_wait3A_159 = tpu.memref_slice %arg4[%dma_wait3A_157, %dma_wait3A_158] : memref<819200x128xf32, #tpu.memory_space<hbm>> -> memref<128x128xf32, #tpu.memory_space<hbm>>
      %dma_wait3A_160 = arith.constant 0 : i32
      %dma_wait3A_161 = arith.constant 0 : i32
      %dma_wait3A_162 = tpu.memref_slice %arg4[%dma_wait3A_160, %dma_wait3A_161] : memref<819200x128xf32, #tpu.memory_space<hbm>> -> memref<128x128xf32, #tpu.memory_space<hbm>>
      tpu.wait_dma2 semaphore(%arg20 : memref<!tpu.dma_semaphore, #tpu.memory_space<semaphore_mem>>) src(%arg10 : memref<128x128xf32, #tpu.memory_space<vmem>>) dst(%dma_wait3A_162 : memref<128x128xf32, #tpu.memory_space<hbm>>)
      %lt3A_163 = arith.constant 39 : i32
      %lt3A_164 = arith.cmpi slt, %scan3A_88, %lt3A_163 : i32
      %convert_element_type3A_165 = arith.extui %lt3A_164 : i1 to i32
      %cond3A_166 = arith.constant 0 : i32
      %cond3A_167 = arith.cmpi ne, %convert_element_type3A_165, %cond3A_166 : i32
      scf.if %cond3A_167 {
        %dma_wait3A_243 = arith.constant 0 : i32
        %dma_wait3A_244 = arith.constant 0 : i32
        %dma_wait3A_245 = tpu.memref_slice %arg2[%dma_wait3A_243, %dma_wait3A_244] : memref<6400x128xi32, #tpu.memory_space<hbm>> -> memref<1x128xi32, #tpu.memory_space<hbm>>
        %dma_wait3A_246 = tpu.memref_squeeze %dma_wait3A_245 : memref<1x128xi32, #tpu.memory_space<hbm>> -> memref<128xi32, #tpu.memory_space<hbm>>
        %dma_wait3A_247 = arith.constant 0 : i32
        %dma_wait3A_248 = tpu.memref_slice %arg2[%dma_wait3A_243, %dma_wait3A_247] : memref<6400x128xi32, #tpu.memory_space<hbm>> -> memref<1x128xi32, #tpu.memory_space<hbm>>
        %dma_wait3A_249 = tpu.memref_squeeze %dma_wait3A_248 : memref<1x128xi32, #tpu.memory_space<hbm>> -> memref<128xi32, #tpu.memory_space<hbm>>
        tpu.wait_dma2 semaphore(%arg25 : memref<!tpu.dma_semaphore, #tpu.memory_space<semaphore_mem>>) src(%dma_wait3A_249 : memref<128xi32, #tpu.memory_space<hbm>>) dst(%arg5 : memref<128xi32, #tpu.memory_space<vmem>>)
        %dma_start3A_250 = arith.constant 0 : i32
        %dma_start3A_251 = arith.constant 0 : i32
        %dma_start3A_252 = tpu.memref_slice %arg3[%dma_start3A_250, %dma_start3A_251] : memref<100000x128xf32, #tpu.memory_space<hbm>> -> memref<100000x128xf32, #tpu.memory_space<hbm>>
        tpu.enqueue_indirect_dma source(%dma_start3A_252 : memref<100000x128xf32, #tpu.memory_space<hbm>>) target(%arg10 : memref<128x128xf32, #tpu.memory_space<vmem>>) offsets(%arg5 : memref<128xi32, #tpu.memory_space<vmem>>) semaphore(%arg15 : memref<!tpu.dma_semaphore, #tpu.memory_space<semaphore_mem>>)
      } else {
      }
      %dma_wait3A_168 = arith.constant 0 : i32
      %dma_wait3A_169 = arith.constant 0 : i32
      %dma_wait3A_170 = tpu.memref_slice %arg3[%dma_wait3A_168, %dma_wait3A_169] : memref<100000x128xf32, #tpu.memory_space<hbm>> -> memref<100000x128xf32, #tpu.memory_space<hbm>>
      tpu.wait_indirect_dma semaphore(%arg17 : memref<!tpu.dma_semaphore, #tpu.memory_space<semaphore_mem>>) src(%dma_wait3A_170 : memref<100000x128xf32, #tpu.memory_space<hbm>>) dst(%arg12 : memref<128x128xf32, #tpu.memory_space<vmem>>)
      %lt3A_171 = arith.constant 39 : i32
      %lt3A_172 = arith.cmpi slt, %scan3A_88, %lt3A_171 : i32
      %convert_element_type3A_173 = arith.extui %lt3A_172 : i1 to i32
      %cond3A_174 = arith.constant 0 : i32
      %cond3A_175 = arith.cmpi ne, %convert_element_type3A_173, %cond3A_174 : i32
      scf.if %cond3A_175 {
        %add3A_243 = arith.addi %mul3A_2, %add3A_156 : i32
        %add3A_244 = arith.constant 5 : i32
        %add3A_245 = arith.addi %add3A_243, %add3A_244 : i32
        %dma_start3A_246 = arith.constant 0 : i32
        %dma_start3A_247 = tpu.memref_slice %arg2[%add3A_245, %dma_start3A_246] : memref<6400x128xi32, #tpu.memory_space<hbm>> -> memref<1x128xi32, #tpu.memory_space<hbm>>
        %dma_start3A_248 = tpu.memref_squeeze %dma_start3A_247 : memref<1x128xi32, #tpu.memory_space<hbm>> -> memref<128xi32, #tpu.memory_space<hbm>>
        %dma_start3A_249 = arith.constant 0 : i32
        %dma_start3A_250 = tpu.memref_slice %arg2[%add3A_245, %dma_start3A_249] : memref<6400x128xi32, #tpu.memory_space<hbm>> -> memref<1x128xi32, #tpu.memory_space<hbm>>
        %dma_start3A_251 = tpu.memref_squeeze %dma_start3A_250 : memref<1x128xi32, #tpu.memory_space<hbm>> -> memref<128xi32, #tpu.memory_space<hbm>>
        tpu.enqueue_dma source(%dma_start3A_251 : memref<128xi32, #tpu.memory_space<hbm>>) target(%arg7 : memref<128xi32, #tpu.memory_space<vmem>>) target_semaphore(%arg27 : memref<!tpu.dma_semaphore, #tpu.memory_space<semaphore_mem>>)
      } else {
      }
      %add3A_176 = arith.addi %mul3A_2, %add3A_156 : i32
      %mul3A_177 = arith.constant 128 : i32
      %mul3A_178 = arith.muli %add3A_176, %mul3A_177 : i32
      %dma_start3A_179 = arith.constant 0 : i32
      %dma_start3A_180 = tpu.memref_slice %arg4[%mul3A_178, %dma_start3A_179] : memref<819200x128xf32, #tpu.memory_space<hbm>> -> memref<128x128xf32, #tpu.memory_space<hbm>>
      %dma_start3A_181 = arith.constant 0 : i32
      %dma_start3A_182 = tpu.memref_slice %arg4[%mul3A_178, %dma_start3A_181] : memref<819200x128xf32, #tpu.memory_space<hbm>> -> memref<128x128xf32, #tpu.memory_space<hbm>>
      tpu.enqueue_dma source(%arg12 : memref<128x128xf32, #tpu.memory_space<vmem>>) target(%dma_start3A_182 : memref<128x128xf32, #tpu.memory_space<hbm>>) target_semaphore(%arg22 : memref<!tpu.dma_semaphore, #tpu.memory_space<semaphore_mem>>)
      %mul3A_183 = arith.constant 5 : i32
      %mul3A_184 = arith.muli %mul3A_183, %scan3A_88 : i32
      %add3A_185 = arith.constant 3 : i32
      %add3A_186 = arith.addi %mul3A_184, %add3A_185 : i32
      %dma_wait3A_187 = arith.constant 0 : i32
      %dma_wait3A_188 = arith.constant 0 : i32
      %dma_wait3A_189 = tpu.memref_slice %arg4[%dma_wait3A_187, %dma_wait3A_188] : memref<819200x128xf32, #tpu.memory_space<hbm>> -> memref<128x128xf32, #tpu.memory_space<hbm>>
      %dma_wait3A_190 = arith.constant 0 : i32
      %dma_wait3A_191 = arith.constant 0 : i32
      %dma_wait3A_192 = tpu.memref_slice %arg4[%dma_wait3A_190, %dma_wait3A_191] : memref<819200x128xf32, #tpu.memory_space<hbm>> -> memref<128x128xf32, #tpu.memory_space<hbm>>
      tpu.wait_dma2 semaphore(%arg21 : memref<!tpu.dma_semaphore, #tpu.memory_space<semaphore_mem>>) src(%arg11 : memref<128x128xf32, #tpu.memory_space<vmem>>) dst(%dma_wait3A_192 : memref<128x128xf32, #tpu.memory_space<hbm>>)
      %lt3A_193 = arith.constant 39 : i32
      %lt3A_194 = arith.cmpi slt, %scan3A_88, %lt3A_193 : i32
      %convert_element_type3A_195 = arith.extui %lt3A_194 : i1 to i32
      %cond3A_196 = arith.constant 0 : i32
      %cond3A_197 = arith.cmpi ne, %convert_element_type3A_195, %cond3A_196 : i32
      scf.if %cond3A_197 {
        %dma_wait3A_243 = arith.constant 0 : i32
        %dma_wait3A_244 = arith.constant 0 : i32
        %dma_wait3A_245 = tpu.memref_slice %arg2[%dma_wait3A_243, %dma_wait3A_244] : memref<6400x128xi32, #tpu.memory_space<hbm>> -> memref<1x128xi32, #tpu.memory_space<hbm>>
        %dma_wait3A_246 = tpu.memref_squeeze %dma_wait3A_245 : memref<1x128xi32, #tpu.memory_space<hbm>> -> memref<128xi32, #tpu.memory_space<hbm>>
        %dma_wait3A_247 = arith.constant 0 : i32
        %dma_wait3A_248 = tpu.memref_slice %arg2[%dma_wait3A_243, %dma_wait3A_247] : memref<6400x128xi32, #tpu.memory_space<hbm>> -> memref<1x128xi32, #tpu.memory_space<hbm>>
        %dma_wait3A_249 = tpu.memref_squeeze %dma_wait3A_248 : memref<1x128xi32, #tpu.memory_space<hbm>> -> memref<128xi32, #tpu.memory_space<hbm>>
        tpu.wait_dma2 semaphore(%arg26 : memref<!tpu.dma_semaphore, #tpu.memory_space<semaphore_mem>>) src(%dma_wait3A_249 : memref<128xi32, #tpu.memory_space<hbm>>) dst(%arg6 : memref<128xi32, #tpu.memory_space<vmem>>)
        %dma_start3A_250 = arith.constant 0 : i32
        %dma_start3A_251 = arith.constant 0 : i32
        %dma_start3A_252 = tpu.memref_slice %arg3[%dma_start3A_250, %dma_start3A_251] : memref<100000x128xf32, #tpu.memory_space<hbm>> -> memref<100000x128xf32, #tpu.memory_space<hbm>>
        tpu.enqueue_indirect_dma source(%dma_start3A_252 : memref<100000x128xf32, #tpu.memory_space<hbm>>) target(%arg11 : memref<128x128xf32, #tpu.memory_space<vmem>>) offsets(%arg6 : memref<128xi32, #tpu.memory_space<vmem>>) semaphore(%arg16 : memref<!tpu.dma_semaphore, #tpu.memory_space<semaphore_mem>>)
      } else {
      }
      %dma_wait3A_198 = arith.constant 0 : i32
      %dma_wait3A_199 = arith.constant 0 : i32
      %dma_wait3A_200 = tpu.memref_slice %arg3[%dma_wait3A_198, %dma_wait3A_199] : memref<100000x128xf32, #tpu.memory_space<hbm>> -> memref<100000x128xf32, #tpu.memory_space<hbm>>
      tpu.wait_indirect_dma semaphore(%arg18 : memref<!tpu.dma_semaphore, #tpu.memory_space<semaphore_mem>>) src(%dma_wait3A_200 : memref<100000x128xf32, #tpu.memory_space<hbm>>) dst(%arg13 : memref<128x128xf32, #tpu.memory_space<vmem>>)
      %lt3A_201 = arith.constant 39 : i32
      %lt3A_202 = arith.cmpi slt, %scan3A_88, %lt3A_201 : i32
      %convert_element_type3A_203 = arith.extui %lt3A_202 : i1 to i32
      %cond3A_204 = arith.constant 0 : i32
      %cond3A_205 = arith.cmpi ne, %convert_element_type3A_203, %cond3A_204 : i32
      scf.if %cond3A_205 {
        %add3A_243 = arith.addi %mul3A_2, %add3A_186 : i32
        %add3A_244 = arith.constant 5 : i32
        %add3A_245 = arith.addi %add3A_243, %add3A_244 : i32
        %dma_start3A_246 = arith.constant 0 : i32
        %dma_start3A_247 = tpu.memref_slice %arg2[%add3A_245, %dma_start3A_246] : memref<6400x128xi32, #tpu.memory_space<hbm>> -> memref<1x128xi32, #tpu.memory_space<hbm>>
        %dma_start3A_248 = tpu.memref_squeeze %dma_start3A_247 : memref<1x128xi32, #tpu.memory_space<hbm>> -> memref<128xi32, #tpu.memory_space<hbm>>
        %dma_start3A_249 = arith.constant 0 : i32
        %dma_start3A_250 = tpu.memref_slice %arg2[%add3A_245, %dma_start3A_249] : memref<6400x128xi32, #tpu.memory_space<hbm>> -> memref<1x128xi32, #tpu.memory_space<hbm>>
        %dma_start3A_251 = tpu.memref_squeeze %dma_start3A_250 : memref<1x128xi32, #tpu.memory_space<hbm>> -> memref<128xi32, #tpu.memory_space<hbm>>
        tpu.enqueue_dma source(%dma_start3A_251 : memref<128xi32, #tpu.memory_space<hbm>>) target(%arg8 : memref<128xi32, #tpu.memory_space<vmem>>) target_semaphore(%arg28 : memref<!tpu.dma_semaphore, #tpu.memory_space<semaphore_mem>>)
      } else {
      }
      %add3A_206 = arith.addi %mul3A_2, %add3A_186 : i32
      %mul3A_207 = arith.constant 128 : i32
      %mul3A_208 = arith.muli %add3A_206, %mul3A_207 : i32
      %dma_start3A_209 = arith.constant 0 : i32
      %dma_start3A_210 = tpu.memref_slice %arg4[%mul3A_208, %dma_start3A_209] : memref<819200x128xf32, #tpu.memory_space<hbm>> -> memref<128x128xf32, #tpu.memory_space<hbm>>
      %dma_start3A_211 = arith.constant 0 : i32
      %dma_start3A_212 = tpu.memref_slice %arg4[%mul3A_208, %dma_start3A_211] : memref<819200x128xf32, #tpu.memory_space<hbm>> -> memref<128x128xf32, #tpu.memory_space<hbm>>
      tpu.enqueue_dma source(%arg13 : memref<128x128xf32, #tpu.memory_space<vmem>>) target(%dma_start3A_212 : memref<128x128xf32, #tpu.memory_space<hbm>>) target_semaphore(%arg23 : memref<!tpu.dma_semaphore, #tpu.memory_space<semaphore_mem>>)
      %mul3A_213 = arith.constant 5 : i32
      %mul3A_214 = arith.muli %mul3A_213, %scan3A_88 : i32
      %add3A_215 = arith.constant 4 : i32
      %add3A_216 = arith.addi %mul3A_214, %add3A_215 : i32
      %dma_wait3A_217 = arith.constant 0 : i32
      %dma_wait3A_218 = arith.constant 0 : i32
      %dma_wait3A_219 = tpu.memref_slice %arg4[%dma_wait3A_217, %dma_wait3A_218] : memref<819200x128xf32, #tpu.memory_space<hbm>> -> memref<128x128xf32, #tpu.memory_space<hbm>>
      %dma_wait3A_220 = arith.constant 0 : i32
      %dma_wait3A_221 = arith.constant 0 : i32
      %dma_wait3A_222 = tpu.memref_slice %arg4[%dma_wait3A_220, %dma_wait3A_221] : memref<819200x128xf32, #tpu.memory_space<hbm>> -> memref<128x128xf32, #tpu.memory_space<hbm>>
      tpu.wait_dma2 semaphore(%arg22 : memref<!tpu.dma_semaphore, #tpu.memory_space<semaphore_mem>>) src(%arg12 : memref<128x128xf32, #tpu.memory_space<vmem>>) dst(%dma_wait3A_222 : memref<128x128xf32, #tpu.memory_space<hbm>>)
      %lt3A_223 = arith.constant 39 : i32
      %lt3A_224 = arith.cmpi slt, %scan3A_88, %lt3A_223 : i32
      %convert_element_type3A_225 = arith.extui %lt3A_224 : i1 to i32
      %cond3A_226 = arith.constant 0 : i32
      %cond3A_227 = arith.cmpi ne, %convert_element_type3A_225, %cond3A_226 : i32
      scf.if %cond3A_227 {
        %dma_wait3A_243 = arith.constant 0 : i32
        %dma_wait3A_244 = arith.constant 0 : i32
        %dma_wait3A_245 = tpu.memref_slice %arg2[%dma_wait3A_243, %dma_wait3A_244] : memref<6400x128xi32, #tpu.memory_space<hbm>> -> memref<1x128xi32, #tpu.memory_space<hbm>>
        %dma_wait3A_246 = tpu.memref_squeeze %dma_wait3A_245 : memref<1x128xi32, #tpu.memory_space<hbm>> -> memref<128xi32, #tpu.memory_space<hbm>>
        %dma_wait3A_247 = arith.constant 0 : i32
        %dma_wait3A_248 = tpu.memref_slice %arg2[%dma_wait3A_243, %dma_wait3A_247] : memref<6400x128xi32, #tpu.memory_space<hbm>> -> memref<1x128xi32, #tpu.memory_space<hbm>>
        %dma_wait3A_249 = tpu.memref_squeeze %dma_wait3A_248 : memref<1x128xi32, #tpu.memory_space<hbm>> -> memref<128xi32, #tpu.memory_space<hbm>>
        tpu.wait_dma2 semaphore(%arg27 : memref<!tpu.dma_semaphore, #tpu.memory_space<semaphore_mem>>) src(%dma_wait3A_249 : memref<128xi32, #tpu.memory_space<hbm>>) dst(%arg7 : memref<128xi32, #tpu.memory_space<vmem>>)
        %dma_start3A_250 = arith.constant 0 : i32
        %dma_start3A_251 = arith.constant 0 : i32
        %dma_start3A_252 = tpu.memref_slice %arg3[%dma_start3A_250, %dma_start3A_251] : memref<100000x128xf32, #tpu.memory_space<hbm>> -> memref<100000x128xf32, #tpu.memory_space<hbm>>
        tpu.enqueue_indirect_dma source(%dma_start3A_252 : memref<100000x128xf32, #tpu.memory_space<hbm>>) target(%arg12 : memref<128x128xf32, #tpu.memory_space<vmem>>) offsets(%arg7 : memref<128xi32, #tpu.memory_space<vmem>>) semaphore(%arg17 : memref<!tpu.dma_semaphore, #tpu.memory_space<semaphore_mem>>)
      } else {
      }
      %dma_wait3A_228 = arith.constant 0 : i32
      %dma_wait3A_229 = arith.constant 0 : i32
      %dma_wait3A_230 = tpu.memref_slice %arg3[%dma_wait3A_228, %dma_wait3A_229] : memref<100000x128xf32, #tpu.memory_space<hbm>> -> memref<100000x128xf32, #tpu.memory_space<hbm>>
      tpu.wait_indirect_dma semaphore(%arg19 : memref<!tpu.dma_semaphore, #tpu.memory_space<semaphore_mem>>) src(%dma_wait3A_230 : memref<100000x128xf32, #tpu.memory_space<hbm>>) dst(%arg14 : memref<128x128xf32, #tpu.memory_space<vmem>>)
      %lt3A_231 = arith.constant 39 : i32
      %lt3A_232 = arith.cmpi slt, %scan3A_88, %lt3A_231 : i32
      %convert_element_type3A_233 = arith.extui %lt3A_232 : i1 to i32
      %cond3A_234 = arith.constant 0 : i32
      %cond3A_235 = arith.cmpi ne, %convert_element_type3A_233, %cond3A_234 : i32
      scf.if %cond3A_235 {
        %add3A_243 = arith.addi %mul3A_2, %add3A_216 : i32
        %add3A_244 = arith.constant 5 : i32
        %add3A_245 = arith.addi %add3A_243, %add3A_244 : i32
        %dma_start3A_246 = arith.constant 0 : i32
        %dma_start3A_247 = tpu.memref_slice %arg2[%add3A_245, %dma_start3A_246] : memref<6400x128xi32, #tpu.memory_space<hbm>> -> memref<1x128xi32, #tpu.memory_space<hbm>>
        %dma_start3A_248 = tpu.memref_squeeze %dma_start3A_247 : memref<1x128xi32, #tpu.memory_space<hbm>> -> memref<128xi32, #tpu.memory_space<hbm>>
        %dma_start3A_249 = arith.constant 0 : i32
        %dma_start3A_250 = tpu.memref_slice %arg2[%add3A_245, %dma_start3A_249] : memref<6400x128xi32, #tpu.memory_space<hbm>> -> memref<1x128xi32, #tpu.memory_space<hbm>>
        %dma_start3A_251 = tpu.memref_squeeze %dma_start3A_250 : memref<1x128xi32, #tpu.memory_space<hbm>> -> memref<128xi32, #tpu.memory_space<hbm>>
        tpu.enqueue_dma source(%dma_start3A_251 : memref<128xi32, #tpu.memory_space<hbm>>) target(%arg9 : memref<128xi32, #tpu.memory_space<vmem>>) target_semaphore(%arg29 : memref<!tpu.dma_semaphore, #tpu.memory_space<semaphore_mem>>)
      } else {
      }
      %add3A_236 = arith.addi %mul3A_2, %add3A_216 : i32
      %mul3A_237 = arith.constant 128 : i32
      %mul3A_238 = arith.muli %add3A_236, %mul3A_237 : i32
      %dma_start3A_239 = arith.constant 0 : i32
      %dma_start3A_240 = tpu.memref_slice %arg4[%mul3A_238, %dma_start3A_239] : memref<819200x128xf32, #tpu.memory_space<hbm>> -> memref<128x128xf32, #tpu.memory_space<hbm>>
      %dma_start3A_241 = arith.constant 0 : i32
      %dma_start3A_242 = tpu.memref_slice %arg4[%mul3A_238, %dma_start3A_241] : memref<819200x128xf32, #tpu.memory_space<hbm>> -> memref<128x128xf32, #tpu.memory_space<hbm>>
      tpu.enqueue_dma source(%arg14 : memref<128x128xf32, #tpu.memory_space<vmem>>) target(%dma_start3A_242 : memref<128x128xf32, #tpu.memory_space<hbm>>) target_semaphore(%arg24 : memref<!tpu.dma_semaphore, #tpu.memory_space<semaphore_mem>>)
    }
    %scan3A_75 = arith.constant 40 : i32
    %dma_wait3A_76 = arith.constant 0 : i32
    %dma_wait3A_77 = arith.constant 0 : i32
    %dma_wait3A_78 = tpu.memref_slice %arg4[%dma_wait3A_76, %dma_wait3A_77] : memref<819200x128xf32, #tpu.memory_space<hbm>> -> memref<128x128xf32, #tpu.memory_space<hbm>>
    %dma_wait3A_79 = arith.constant 0 : i32
    %dma_wait3A_80 = arith.constant 0 : i32
    %dma_wait3A_81 = tpu.memref_slice %arg4[%dma_wait3A_79, %dma_wait3A_80] : memref<819200x128xf32, #tpu.memory_space<hbm>> -> memref<128x128xf32, #tpu.memory_space<hbm>>
    tpu.wait_dma2 semaphore(%arg23 : memref<!tpu.dma_semaphore, #tpu.memory_space<semaphore_mem>>) src(%arg13 : memref<128x128xf32, #tpu.memory_space<vmem>>) dst(%dma_wait3A_81 : memref<128x128xf32, #tpu.memory_space<hbm>>)
    %dma_wait3A_82 = arith.constant 0 : i32
    %dma_wait3A_83 = arith.constant 0 : i32
    %dma_wait3A_84 = tpu.memref_slice %arg4[%dma_wait3A_82, %dma_wait3A_83] : memref<819200x128xf32, #tpu.memory_space<hbm>> -> memref<128x128xf32, #tpu.memory_space<hbm>>
    %dma_wait3A_85 = arith.constant 0 : i32
    %dma_wait3A_86 = arith.constant 0 : i32
    %dma_wait3A_87 = tpu.memref_slice %arg4[%dma_wait3A_85, %dma_wait3A_86] : memref<819200x128xf32, #tpu.memory_space<hbm>> -> memref<128x128xf32, #tpu.memory_space<hbm>>
    tpu.wait_dma2 semaphore(%arg24 : memref<!tpu.dma_semaphore, #tpu.memory_space<semaphore_mem>>) src(%arg14 : memref<128x128xf32, #tpu.memory_space<vmem>>) dst(%dma_wait3A_87 : memref<128x128xf32, #tpu.memory_space<hbm>>)
    return
  }
}

</mosaic_0001>

<sc_bundles>
// kernel: kernel.3.cloned.1.call-start
scs
__scs_entry_jumppad:
0x0: {  	(pc) =	sbr.rel $0x88, $3  }
0x1: {  	(tag) =	ssettag $0x0;
	lr =	simm.s32 $0x1  }
0x2: {  	[smem:$0x3F9F] =	sst lr;
	_ =	strace $0xD0000000  }
0x3: {  	_ = 	snop  }
0x4: {  	_ = 	snop  }
0x5: {  	_ = 	snop  }
0x6: {  	_ = 	snop  }
0x7: {  	_ = 	snop  }
__scs_overlays_trampoline_lowered:
0x8: {  	[smem:$0x3FAE] =	sst s0  }
0x9: {  	[smem:$0x3FAF] =	sst s1  }
0xa: {  	[smem:$0x3FB0] =	sst s2  }
0xb: {  	[smem:$0x3FB1] =	sst s3  }
0xc: {  	[smem:$0x3FB2] =	sst s4  }
0xd: {  	[smem:$0x3FB3] =	sst s5  }
0xe: {  	[smem:$0x3FB4] =	sst s6  }
0xf: {  	[smem:$0x3FB5] =	sst s7  }
0x10: {  	[smem:$0x3FB6] =	sst s8  }
0x11: {  	[smem:$0x3FB7] =	sst s9;
	s0 =	simm.s32 @!p0 $0x0  }
0x12: {  	s1 =	sld [smem:$0x3F9D];
	s0 =	simm.s32 @p0 $0x1  }
0x13: {  	[smem:$0x3FB8] =	sst s0;
	s0 =	simm.s32 @!p1 $0x0  }
0x14: {  	s2 =	sld [smem:$0x3F9C];
	s0 =	simm.s32 @p1 $0x1  }
0x15: {  	[smem:$0x3FB9] =	sst s0;
	s0 =	simm.s32 @!p2 $0x0  }
0x16: {  	s3 =	sld [smem:$0x3FDB];
	s0 =	simm.s32 @p2 $0x1  }
0x17: {  	s4 =	simm.s32 $0x1BF5;
	[smem:$0x3FBB] =	sst s0  }
0x18: {  	s0 =	sld [smem:$0x3F9E];
	_ =	swait.ge [sflag:s4], $0x0  }
0x19: {  	s7 =	sld [smem:$0x3F9F]  }
0x1a: {  	s8 =	sadd.s32 $0xFFFFE003, lr  }
0x1b: {  	s9 =	sadd.s32 $0xFFFFFEF7, lr;
	s5 =	simm.s32 $0xFFFFFFFF;
	p2 =	slt.u32 s8, $0xFFFFF086  }
0x1c: {  	p1 =	slt.u32 s9, $0xF7A;
	s5 =	simm.s32 @!p2 $0x0  }
0x1d: {  	s5 =	simm.s32 @p1 $0x1;
	p0 =	seq.s32 s7, s2  }
0x1e: {  	s7 =	smul.u32 @!p0 $0xF7A, s2;
	p2 =	seq.s32 @!p0 s5, $0x0  }
0x1f: {  	s9 =	smul.u32 $0xF7A, s1;
	s8 =	simm.s32 @!p0 $0x1BF5;
	p2 =	por !p2, p0  }
0x20: {  	[sflag:s8] =	ssyncset.s32 @!p0 $0xFFFFF086;
	s6 =	sadd.s32 @!p0 s3, s7;
	s7 =	simm.s32 @!p0 $0x108  }
0x21: {  	s3 =	sadd.s32 s3, s9;
	s6 =	sadd.s32 @!p0 $0x88, s6;
	s7 =	simm.s32 @p2 $0x1082  }
0x22: {  	[simem:s7], [sflag:s8] =	dma.local @!p0 [hbm:s6], $0xF7A  }
0x23: {  	s9 =	sor.u32 $0xD0000000, s2;
	s6 =	simm.s32 $0x108;
	_ =	swait.ge @!p0 [sflag:s8], $0x0  }
0x24: {  	s3 =	sadd.s32 $0x88, s3;
	s6 =	simm.s32 @!p1 $0x1082;
	[sflag:s4] =	ssyncset.s32 $0xFFFFF086  }
0x25: {  	[simem:s6], [sflag:s4] =	dma.local [hbm:s3], $0xF7A  }
0x26: {  	[smem:$0x3F9F] =	sst s1;
	(tag) =	ssettag s2;
	_ =	strace s9  }
0x27: {  	s1 =	sld [smem:$0x3FAF]  }
0x28: {  	s2 =	sld [smem:$0x3FB0]  }
0x29: {  	s4 =	sld [smem:$0x3FB2]  }
0x2a: {  	p0 =	seq.s32 s5, $0x0;
	s5 =	sld [smem:$0x3FB3]  }
0x2b: {  	s6 =	sld [smem:$0x3FB4]  }
0x2c: {  	s7 =	sld [smem:$0x3FB5]  }
0x2d: {  	s3 =	simm.s32 $0x108;
	s8 =	sld [smem:$0x3FB6]  }
0x2e: {  	s3 =	simm.s32 @!p0 $0x1082;
	s9 =	sld [smem:$0x3FB7]  }
0x2f: {  	lr =	sadd.s32 s0, s3;
	s0 =	sld [smem:$0x3FAE]  }
0x30: {  	s3 =	sld [smem:$0x3FB1]  }
0x31: {  	[smem:$0x3FBA] =	sst s10  }
0x32: {  	s10 =	sld [smem:$0x3FB8];
	_ =	sdelay $0x3  }
0x33: {  	p0 =	seq.s32 s10, $0x1;
	s10 =	sld [smem:$0x3FBA];
	_ =	sdelay $0x3  }
0x34: {  	[smem:$0x3FBA] =	sst s10  }
0x35: {  	s10 =	sld [smem:$0x3FB9];
	_ =	sdelay $0x3  }
0x36: {  	p1 =	seq.s32 s10, $0x1;
	s10 =	sld [smem:$0x3FBA];
	_ =	sdelay $0x3  }
0x37: {  	[smem:$0x3FBA] =	sst s10  }
0x38: {  	s10 =	sld [smem:$0x3FBB]  }
0x39: {  	_ = 	snop;
	(pc) =	sbr.ind lr, $3  }
0x3a: {  	_ = 	snop  }
0x3b: {  	_ = 	snop  }
0x3c: {  	p2 =	seq.s32 s10, $0x1;
	s10 =	sld [smem:$0x3FBA]  }
0x3d: {  	_ =	shalt  }
0x3e: {  	_ =	shalt  }
0x3f: {  	_ =	shalt  }
0x40: {  	_ =	shalt  }
0x41: {  	_ =	shalt  }
0x42: {  	_ =	shalt  }
0x43: {  	_ =	shalt  }
0x44: {  	_ =	shalt  }
0x45: {  	_ =	shalt  }
0x46: {  	_ =	shalt  }
0x47: {  	_ =	shalt  }
0x48: {  	_ =	shalt  }
0x49: {  	_ =	shalt  }
0x4a: {  	_ =	shalt  }
0x4b: {  	_ =	shalt  }
0x4c: {  	_ =	shalt  }
0x4d: {  	_ =	shalt  }
0x4e: {  	_ =	shalt  }
0x4f: {  	_ =	shalt  }
0x50: {  	_ =	shalt  }
0x51: {  	_ =	shalt  }
0x52: {  	_ =	shalt  }
0x53: {  	_ =	shalt  }
0x54: {  	_ =	shalt  }
0x55: {  	_ =	shalt  }
0x56: {  	_ =	shalt  }
0x57: {  	_ =	shalt  }
0x58: {  	_ =	shalt  }
0x59: {  	_ =	shalt  }
0x5a: {  	_ =	shalt  }
0x5b: {  	_ =	shalt  }
0x5c: {  	_ =	shalt  }
0x5d: {  	_ =	shalt  }
0x5e: {  	_ =	shalt  }
0x5f: {  	_ =	shalt  }
0x60: {  	_ =	shalt  }
0x61: {  	_ =	shalt  }
0x62: {  	_ =	shalt  }
0x63: {  	_ =	shalt  }
0x64: {  	_ =	shalt  }
0x65: {  	_ =	shalt  }
0x66: {  	_ =	shalt  }
0x67: {  	_ =	shalt  }
0x68: {  	_ =	shalt  }
0x69: {  	_ =	shalt  }
0x6a: {  	_ =	shalt  }
0x6b: {  	_ =	shalt  }
0x6c: {  	_ =	shalt  }
0x6d: {  	_ =	shalt  }
0x6e: {  	_ =	shalt  }
0x6f: {  	_ =	shalt  }
0x70: {  	_ =	shalt  }
0x71: {  	_ =	shalt  }
0x72: {  	_ =	shalt  }
0x73: {  	_ =	shalt  }
0x74: {  	_ =	shalt  }
0x75: {  	_ =	shalt  }
0x76: {  	_ =	shalt  }
0x77: {  	_ =	shalt  }
0x78: {  	_ =	shalt  }
0x79: {  	_ =	shalt  }
0x7a: {  	_ =	shalt  }
0x7b: {  	_ =	shalt  }
0x7c: {  	_ =	shalt  }
0x7d: {  	_ =	shalt  }
0x7e: {  	_ =	shalt  }
0x7f: {  	_ =	shalt  }
0x80: {  	_ =	shalt  }
0x81: {  	_ =	shalt  }
0x82: {  	_ =	shalt  }
0x83: {  	_ =	shalt  }
0x84: {  	_ =	shalt  }
0x85: {  	_ =	shalt  }
0x86: {  	_ =	shalt  }
0x87: {  	_ =	shalt  }
.Lfunc_end0:
.L_simem_size_0:
called_computation_lowered:
.L_overlay_start_0:
0x88: {  	s2 =	sld [smem:$0x3FD9]  }
0x89: {  	s3 =	sld [smem:$0x3FFE];
	_ =	sdelay $0x1  }
0x8a: {  	s1 =	srdreg.scid  }
0x8b: {  	s0 =	sand.u32 $0x1, s1  }
0x8c: {  	s17 =	sshll.u32 s0, $0xA;
	s2 =	sadd.s32 s3, s2  }
0x8d: {  	s2 =	sadd.s32 s2, s17  }
0x8e: {  	[smem:$0x3FC6] =	sst s2  }
0x8f: {  	_ = 	snop  }
0x90: {  	s2 =	sld [smem:$0x3FC8]  }
0x91: {  	s18 =	sld [smem:$0x3FD0];
	(tm) =	ssettm $0x1  }
0x92: {  	s4 =	sld [smem:$0x3FFB];
	_ =	sdelay $0x3  }
0x93: {  	_ =	strace s4  }
0x94: {  	s4 =	sld [smem:$0x3FFC];
	_ =	sdelay $0x3  }
0x95: {  	_ =	strace s4  }
0x96: {  	s4 =	sld [smem:$0x3FFD];
	_ =	sdelay $0x3  }
0x97: {  	_ =	strace s4  }
0x98: {  	_ =	strace $0x8FFFFFFF  }
0x99: {  	s19 =	sld [smem:$0x3FDB];
	_ =	sdelay $0x1  }
0x9a: {  	s5 =	simm.s32 $_scs_section_size  }
0x9b: {  	s6 =	simm.s32 $_size__tile_overlayer_lowered;
	s7 =	simm.s32 $_tile_overlayer_lowered  }
0x9c: {  	s22 =	simm.s32 $0x1BFF;
	s21 =	sshll.u32 s7, $0x1;
	s4 =	sadd.s32 s5, s19  }
0x9d: {  	s8 =	simm.s32 $0x0;
	s20 =	sshll.u32 s6, $0x1;
	s6 =	sadd.s32 s21, s4  }
0x9e: {  	[timem:s8], [sflag:s22] =	dma.local [hbm:s6], s20  }
0x9f: {  	_ =	swait.ge [sflag:s22], s20  }
0xa0: {  	s5 =	ssub.s32 $0x0, s20;
	[sflag:s22] =	ssyncset.done $0x0  }
0xa1: {  	[sflag:s22] =	ssyncadd.s32 s5;
	_ =	sdelay $0x1  }
0xa2: {  	s23 =	simm.s32 $0x1B8B  }
0xa3: {  	_ =	swait.ge [sflag:s23], $0x1  }
0xa4: {  	[sflag:s23] =	ssyncset.done $0x0  }
0xa5: {  	s25 =	simm.s32 $0x1B8E;
	s24 =	sld [smem:$0x3FFE];
	[sflag:s23] =	ssyncadd.s32 $0xFFFFFFFF  }
0xa6: {  	s26 =	simm.s32 $execute0_lowered;
	[smem:$0x3FD2] =	sst s25  }
0xa7: {  	s6 =	sshll.u32 s26, $0x1;
	_ =	strace $0x80000046;
	[dreg:$0x1] =	wrdreg $0xFFFFFFFF  }
0xa8: {  	s28 =	simm.s32 $_size_execute0_lowered;
	s4 =	sadd.s32 s4, s6;
	[dreg:$0x0] =	wrdreg $0x0  }
0xa9: {  	s6 =	sshll.u32 s28, $0x1;
	[dreg:$0x2] =	wrdreg s4  }
0xaa: {  	[dreg:$0x3] =	wrdreg s6  }
0xab: {  	[dreg:$0x4] =	wrdreg $0xC0  }
0xac: {  	_ =	task [dreg:s8], $0x5FFFF  }
0xad: {  	[dreg:$0x1] =	wrdreg $0xFFFFFFFF  }
0xae: {  	[dreg:$0x0] =	wrdreg $0x60  }
0xaf: {  	[dreg:$0x2] =	wrdreg s24  }
0xb0: {  	[dreg:$0x3] =	wrdreg s2  }
0xb1: {  	[dreg:$0x4] =	wrdreg s18  }
0xb2: {  	[dreg:$0x5] =	wrdreg $0x9  }
0xb3: {  	_ =	task.clear_ibuf [dreg:s8], $0x6FFFF;
	_ =	strace $0x90000046  }
0xb4: {  	s29 =	simm.s32 $0x9;
	_ =	strace $0x80000048  }
0xb5: {  	_ =	swait.ge [sflag:s29], $0x1  }
0xb6: {  	[sflag:s29] =	ssyncadd.s32 $0xFFFFFFFF  }
0xb7: {  	_ =	strace $0x90000048  }
0xb8: {  	_ =	sfence  }
0xb9: {  	s30 =	sld [smem:$0x0];
	_ =	sdelay $0x2  }
0xba: {  	s31 =	sshll.u32 s1, $0xD;
	s1 =	sshrl.u32 s1, $0x2  }
0xbb: {  	s3 =	sand.u32 $0x4000, s31;
	s1 =	sadd.s32 s1, s30  }
0xbc: {  	s0 =	sor.u32 s3, s0;
	s1 =	sshll.u32 s1, $0x11  }
0xbd: {  	s0 =	sor.u32 s1, s0  }
0xbe: {  	s0 =	sadd.s32 $0x8F2B, s0  }
0xbf: {  	[sflag:s0] =	ssyncadd.remote.s32 $0x1  }
0xc0: {  	_ =	sfence.sel $0xFFFF  }
0xc1: {  	[dreg:$0x0] =	wrdreg $0xFFFFFFFF;
	(pc) =	sbr.abs _section_cstart, $3  }
0xc2: {  	[dreg:$0x1] =	wrdreg $0xFFFFFFFF  }
0xc3: {  	_ =	task.clear_ibuf [dreg:s8], $0x2FFFF;
	_ =	strace $0x9FFFFFFF  }
0xc4: {  	(tm) =	ssettm $0x7FFFFFFF  }
0xc5: {  	_ =	shalt  }
tec
execute0_lowered:
.L_overlay_start_1:
0x0: {  	(tag) =	ssettag $0x1  }
0x1: {  	s0 =	rddreg [dreg:$0x0]  }
0x2: {  	s2 =	rddreg [dreg:$0x1]  }
0x3: {  	s1 =	srdreg.scid;
	s9 =	stileid.u32;
	s4 =	simm.s32 $0x0  }
0x4: {  	s13 =	simm.s32 $0x180;
	s14 =	simm.s32 $0x200;
	s5 =	smul.u32 $0x1900, s9  }
0x5: {  	s16 =	simm.s32 $0x280;
	s28 =	simm.s32 $0x6;
	s18 =	smul.u32 $0x190, s9  }
0x6: {  	s29 =	simm.s32 $0x7;
	s1 =	sand.u32 $0x1, s1;
	s21 =	smul.u32 $0xC8000, s9  }
0x7: {  	s30 =	simm.s32 $0x8;
	s31 =	simm.s32 $0x9;
	s7 =	smul.u32 $0xC80, s1  }
0x8: {  	s3 =	sshll.u32 s9, $0x1;
	[smem:$0x7FF] =	sst s4;
	s20 =	smul.u32 $0xC8, s1  }
0x9: {  	s3 =	sor.u32 s1, s3;
	s6 =	ssub.s32 $0x2, s1;
	s1 =	smul.u32 $0x64000, s1  }
0xa: {  	s0 =	sadd.s32 $0x400, s0;
	s3 =	smul.u32 $0xC80, s3;
	s8 =	sshrl.u32 s6, $0x1  }
0xb: {  	_ =	strace $0x80000047;
	s6 =	ssub.s32 s6, s8;
	s25 =	sadd.s32 s1, s21  }
0xc: {  	s21 =	simm.s32 $0xE;
	s10 =	sadd.s32 s0, s3;
	[dreg:$0x6] =	wrdreg s25  }
0xd: {  	s1 =	simm.s32 $0xA;
	s26 =	smax.u32 s6, $0x1;
	[dreg:$0x7] =	wrdreg s10  }
0xe: {  	s0 =	sadd.s32 s5, s0;
	s19 =	sadd.s32 $0x10, s10;
	[dreg:$0xc] =	wrdreg s26  }
0xf: {  	s3 =	sadd.s32 s20, s18;
	s11 =	sadd.s32 $0x20, s10;
	[dreg:$0x8] =	wrdreg s19  }
0x10: {  	s18 =	simm.s32 $0x4280;
	s22 =	sadd.s32 $0x30, s10;
	[dreg:$0x9] =	wrdreg s11  }
0x11: {  	s20 =	simm.s32 $0x8280;
	s0 =	sadd.s32 s7, s0;
	[dreg:$0xa] =	wrdreg s22  }
0x12: {  	s25 =	simm.s32 $0x10280;
	s24 =	sadd.s32 $0x40, s10;
	[dreg:$0x4] =	wrdreg s0  }
0x13: {  	s23 =	sshll.u32 s3, $0xB;
	s26 =	simm.s32 $0x2;
	[dreg:$0xb] =	wrdreg s24  }
0x14: {  	[dreg:$0x5] =	wrdreg s23;
	s11 =	simm.s32 $0x80;
	s22 =	simm.s32 $0xC280  }
0x15: {  	s23 =	simm.s32 $0x1;
	s24 =	simm.s32 $0xF;
	s0 =	simm.s32 $0x0  }
.LBB2_1:
0x16: {  	s3 =	rddreg [dreg:$0x7]  }
0x17: {  	[tilespmem:s4], [sflag:$0xB] =	stream.linear.gather [hbm4b:s3+s4], $0x80, $0x38;
	[tilespmem:$0x14280] =	vst v63  }
0x18: {  	s5 =	rddreg [dreg:$0x8]  }
0x19: {  	[tilespmem:s11], [sflag:$0xC] =	stream.linear.gather [hbm4b:s5+s4], $0x80, $0x38;
	[tilespmem:$0x14280] =	vst v63  }
0x1a: {  	s6 =	rddreg [dreg:$0x9];
	s5 =	simm.s32 $0x100  }
0x1b: {  	[tilespmem:s5], [sflag:$0xD] =	stream.linear.gather [hbm4b:s6+s4], $0x80, $0x38;
	[tilespmem:$0x14280] =	vst v63  }
0x1c: {  	s7 =	rddreg [dreg:$0xa]  }
0x1d: {  	[tilespmem:s13], [sflag:$0xE] =	stream.linear.gather [hbm4b:s7+s4], $0x80, $0x38;
	[tilespmem:$0x14280] =	vst v63  }
0x1e: {  	s8 =	rddreg [dreg:$0xb];
	s9 =	simm.s32 $0xB  }
0x1f: {  	[tilespmem:s14], [sflag:$0xF] =	stream.linear.gather [hbm4b:s8+s4], $0x80, $0x38;
	[tilespmem:$0x14280] =	vst v63  }
0x20: {  	_ =	swait.ge [sflag:s9], $0x80  }
0x21: {  	[sflag:s9] =	ssyncset.done $0x0  }
0x22: {  	s10 =	simm.s32 $0xC;
	[sflag:s9] =	ssyncadd.s32 $0xFFFFFF80  }
0x23: {  	[tilespmem:s16], [sflag:$0x1] =	stream.indirect.gather [hbm4b:s2+s11], $0x80, s4, s11, $0xb8;
	[tilespmem:$0x14280] =	vst v63  }
0x24: {  	_ =	swait.ge [sflag:s10], $0x80  }
0x25: {  	[sflag:s10] =	ssyncset.done $0x0  }
0x26: {  	s12 =	simm.s32 $0xD;
	[sflag:s10] =	ssyncadd.s32 $0xFFFFFF80  }
0x27: {  	[tilespmem:s18], [sflag:$0x2] =	stream.indirect.gather [hbm4b:s2+s11], $0x80, s11, s11, $0xb8;
	[tilespmem:$0x14280] =	vst v63  }
0x28: {  	p0 =	por $0x1, $0x1;
	_ =	swait.ge [sflag:s12], $0x80  }
0x29: {  	p1 =	por p0, p0;
	[sflag:s12] =	ssyncset.done $0x0  }
0x2a: {  	s3 =	simm.s32 @!p1 $0x9;
	[sflag:s12] =	ssyncadd.s32 $0xFFFFFF80  }
0x2b: {  	[tilespmem:s20], [sflag:$0x3] =	stream.indirect.gather [hbm4b:s2+s11], $0x80, s5, s11, $0xb8;
	[tilespmem:$0x14280] =	vst v63  }
0x2c: {  	_ =	swait.ge @!p1 [sflag:s3], $0x4000  }
0x2d: {  	[sflag:s3] =	ssyncset.done @!p1 $0x0  }
0x2e: {  	[sflag:s3] =	ssyncadd.s32 @!p1 $0xFFFFC000  }
0x2f: {  	_ =	swait.ge [sflag:s21], $0x80  }
0x30: {  	[sflag:s21] =	ssyncset.done $0x0  }
0x31: {  	[sflag:s21] =	ssyncadd.s32 $0xFFFFFF80  }
0x32: {  	[tilespmem:s22], [sflag:$0x4] =	stream.indirect.gather [hbm4b:s2+s11], $0x80, s13, s11, $0xb8;
	[tilespmem:$0x14280] =	vst v63  }
0x33: {  	_ =	swait.ge [sflag:s23], $0x4000  }
0x34: {  	p0 =	por $0x0, $0x0;
	s3 =	rddreg [dreg:$0x4];
	[sflag:s23] =	ssyncset.done $0x0  }
0x35: {  	s6 =	rddreg [dreg:$0x6];
	s3 =	sadd.s32 @!p0 $0x0, s3;
	[sflag:s23] =	ssyncadd.s32 $0xFFFFC000  }
0x36: {  	s5 =	simm.s32 @!p0 $0x0;
	s7 =	sadd.s32 @!p0 $0x50, s3;
	s12 =	rddreg [dreg:$0x2]  }
0x37: {  	[tilespmem:s5], [sflag:$0xB] =	stream.linear.gather @!p0 [hbm4b:s7+s5], $0x80, $0x38;
	[tilespmem:$0x14280] =	vst v63  }
0x38: {  	s6 =	sadd.s32 s12, s6;
	s7 =	simm.s32 @!p1 $0xA  }
0x39: {  	[hbm4b:s6+s4] =	stream.linear.scatter [tilespmem:s16], [sflag:$0x6], $0x4000, $0x38;
	[tilespmem:$0x14280] =	vst v63  }
0x3a: {  	_ =	swait.ge @!p1 [sflag:s7], $0x4000  }
0x3b: {  	[sflag:s7] =	ssyncset.done @!p1 $0x0  }
0x3c: {  	[sflag:s7] =	ssyncadd.s32 @!p1 $0xFFFFC000  }
0x3d: {  	_ =	swait.ge [sflag:s24], $0x80  }
0x3e: {  	[sflag:s24] =	ssyncset.done $0x0  }
0x3f: {  	[sflag:s24] =	ssyncadd.s32 $0xFFFFFF80  }
0x40: {  	[tilespmem:s25], [sflag:$0x5] =	stream.indirect.gather [hbm4b:s2+s11], $0x80, s14, s11, $0xb8;
	[tilespmem:$0x14280] =	vst v63  }
0x41: {  	_ =	swait.ge [sflag:s26], $0x4000  }
0x42: {  	s8 =	simm.s32 @!p0 $0x80;
	[sflag:s26] =	ssyncset.done $0x0;
	s15 =	rddreg [dreg:$0x5]  }
0x43: {  	s7 =	sadd.s32 @!p0 $0x60, s3;
	[sflag:s26] =	ssyncadd.s32 $0xFFFFC000;
	s9 =	sadd.s32 s12, s15  }
0x44: {  	[tilespmem:s8], [sflag:$0xC] =	stream.linear.gather @!p0 [hbm4b:s7+s5], $0x80, $0x38;
	[tilespmem:$0x14280] =	vst v63  }
0x45: {  	s6 =	sadd.s32 $0x800, s9  }
0x46: {  	[hbm4b:s6+s4] =	stream.linear.scatter [tilespmem:s18], [sflag:$0x7], $0x4000, $0x38;
	[tilespmem:$0x14280] =	vst v63  }
0x47: {  	_ =	swait.ge [sflag:s28], $0x4000  }
0x48: {  	[sflag:s28] =	ssyncset.done $0x0  }
0x49: {  	s6 =	simm.s32 @p0 $0x3;
	[sflag:s28] =	ssyncadd.s32 $0xFFFFC000  }
0x4a: {  	_ =	swait.ge @p0 [sflag:s6], $0x4000  }
0x4b: {  	[sflag:s6] =	ssyncset.done @p0 $0x0  }
0x4c: {  	s7 =	simm.s32 @!p0 $0xB;
	[sflag:s6] =	ssyncadd.s32 @p0 $0xFFFFC000  }
0x4d: {  	_ =	swait.ge @!p0 [sflag:s7], $0x80  }
0x4e: {  	[sflag:s7] =	ssyncset.done @!p0 $0x0  }
0x4f: {  	s6 =	simm.s32 @!p0 $0x280;
	[sflag:s7] =	ssyncadd.s32 @!p0 $0xFFFFFF80;
	s7 =	simm.s32 @!p0 $0x3  }
0x50: {  	[tilespmem:s6], [sflag:$0x1] =	stream.indirect.gather @!p0 [hbm4b:s2+s8], $0x80, s5, s8, $0xb8;
	[tilespmem:$0x14280] =	vst v63  }
0x51: {  	_ =	swait.ge @!p0 [sflag:s7], $0x4000  }
0x52: {  	[sflag:s7] =	ssyncset.done @!p0 $0x0  }
0x53: {  	s10 =	simm.s32 @!p0 $0x100;
	s6 =	sadd.s32 @!p0 $0x70, s3;
	[sflag:s7] =	ssyncadd.s32 @!p0 $0xFFFFC000  }
0x54: {  	[tilespmem:s10], [sflag:$0xD] =	stream.linear.gather @!p0 [hbm4b:s6+s5], $0x80, $0x38;
	[tilespmem:$0x14280] =	vst v63  }
0x55: {  	s17 =	sadd.s32 $0x1000, s9  }
0x56: {  	[hbm4b:s17+s4] =	stream.linear.scatter [tilespmem:s20], [sflag:$0x8], $0x4000, $0x38;
	[tilespmem:$0x14280] =	vst v63  }
0x57: {  	_ =	swait.ge [sflag:s29], $0x4000  }
0x58: {  	[sflag:s29] =	ssyncset.done $0x0  }
0x59: {  	s6 =	simm.s32 @p0 $0x4;
	[sflag:s29] =	ssyncadd.s32 $0xFFFFC000  }
0x5a: {  	_ =	swait.ge @p0 [sflag:s6], $0x4000  }
0x5b: {  	[sflag:s6] =	ssyncset.done @p0 $0x0  }
0x5c: {  	s7 =	simm.s32 @!p0 $0xC;
	[sflag:s6] =	ssyncadd.s32 @p0 $0xFFFFC000  }
0x5d: {  	_ =	swait.ge @!p0 [sflag:s7], $0x80  }
0x5e: {  	[sflag:s7] =	ssyncset.done @!p0 $0x0  }
0x5f: {  	s6 =	simm.s32 @!p0 $0x4280;
	[sflag:s7] =	ssyncadd.s32 @!p0 $0xFFFFFF80;
	s7 =	simm.s32 @!p0 $0x4  }
0x60: {  	[tilespmem:s6], [sflag:$0x2] =	stream.indirect.gather @!p0 [hbm4b:s2+s8], $0x80, s8, s8, $0xb8;
	[tilespmem:$0x14280] =	vst v63  }
0x61: {  	_ =	swait.ge @!p0 [sflag:s7], $0x4000  }
0x62: {  	[sflag:s7] =	ssyncset.done @!p0 $0x0  }
0x63: {  	s6 =	sadd.s32 @!p0 $0x80, s3;
	[sflag:s7] =	ssyncadd.s32 @!p0 $0xFFFFC000;
	s7 =	simm.s32 @!p0 $0x180  }
0x64: {  	[tilespmem:s7], [sflag:$0xE] =	stream.linear.gather @!p0 [hbm4b:s6+s5], $0x80, $0x38;
	[tilespmem:$0x14280] =	vst v63  }
0x65: {  	s19 =	sadd.s32 $0x1800, s9  }
0x66: {  	[hbm4b:s19+s4] =	stream.linear.scatter [tilespmem:s22], [sflag:$0x9], $0x4000, $0x38;
	[tilespmem:$0x14280] =	vst v63  }
0x67: {  	_ =	swait.ge [sflag:s30], $0x4000  }
0x68: {  	[sflag:s30] =	ssyncset.done $0x0  }
0x69: {  	s6 =	simm.s32 @p0 $0x5;
	[sflag:s30] =	ssyncadd.s32 $0xFFFFC000  }
0x6a: {  	_ =	swait.ge @p0 [sflag:s6], $0x4000  }
0x6b: {  	[sflag:s6] =	ssyncset.done @p0 $0x0  }
0x6c: {  	[sflag:s6] =	ssyncadd.s32 @p0 $0xFFFFC000;
	s6 =	simm.s32 @!p0 $0xD  }
0x6d: {  	_ =	swait.ge @!p0 [sflag:s6], $0x80  }
0x6e: {  	[sflag:s6] =	ssyncset.done @!p0 $0x0  }
0x6f: {  	[sflag:s6] =	ssyncadd.s32 @!p0 $0xFFFFFF80;
	s6 =	simm.s32 @!p0 $0x8280  }
0x70: {  	[tilespmem:s6], [sflag:$0x3] =	stream.indirect.gather @!p0 [hbm4b:s2+s8], $0x80, s10, s8, $0xb8;
	[tilespmem:$0x14280] =	vst v63  }
0x71: {  	s6 =	simm.s32 @!p0 $0x5  }
0x72: {  	p6 =	por $0x0, $0x0;
	_ =	swait.ge @!p0 [sflag:s6], $0x4000  }
0x73: {  	s3 =	sadd.s32 @!p0 $0x90, s3;
	s7 =	simm.s32 $0x50;
	[sflag:s6] =	ssyncset.done @!p0 $0x0  }
0x74: {  	s8 =	simm.s32 $0xA0;
	[sflag:s6] =	ssyncadd.s32 @!p0 $0xFFFFC000;
	s6 =	simm.s32 @!p0 $0x200  }
0x75: {  	[tilespmem:s6], [sflag:$0xF] =	stream.linear.gather @!p0 [hbm4b:s3+s5], $0x80, $0x38;
	[tilespmem:$0x14280] =	vst v63  }
0x76: {  	p0 =	por p6, p6;
	s5 =	sadd.s32 $0x2000, s9;
	s3 =	smov.u32 s12  }
.LBB2_2:
0x77: {  	s9 =	simm.s32 @!p0 $0x9  }
0x78: {  	[hbm4b:s5+s4] =	stream.linear.scatter [tilespmem:s25], [sflag:$0xA], $0x4000, $0x38;
	[tilespmem:$0x14280] =	vst v63  }
0x79: {  	_ =	swait.ge @!p0 [sflag:s9], $0x4000  }
0x7a: {  	[sflag:s9] =	ssyncset.done @!p0 $0x0  }
0x7b: {  	[sflag:s9] =	ssyncadd.s32 @!p0 $0xFFFFC000  }
0x7c: {  	_ =	swait.ge [sflag:s21], $0x80  }
0x7d: {  	[sflag:s21] =	ssyncset.done $0x0  }
0x7e: {  	[sflag:s21] =	ssyncadd.s32 $0xFFFFFF80  }
0x7f: {  	[tilespmem:s22], [sflag:$0x4] =	stream.indirect.gather [hbm4b:s2+s11], $0x80, s13, s11, $0xb8;
	[tilespmem:$0x14280] =	vst v63  }
0x80: {  	_ =	swait.ge [sflag:s23], $0x4000  }
0x81: {  	s3 =	sadd.s32 $0x2800, s3;
	p2 =	seq.s32 s7, $0xC30;
	s5 =	rddreg [dreg:$0x4]  }
0x82: {  	s12 =	simm.s32 @!p2 $0x0;
	[sflag:s23] =	ssyncset.done $0x0;
	s9 =	sadd.s32 @!p2 s7, s5  }
0x83: {  	s15 =	rddreg [dreg:$0x6];
	[sflag:s23] =	ssyncadd.s32 $0xFFFFC000;
	s7 =	sadd.s32 @!p2 $0x50, s9  }
0x84: {  	[tilespmem:s12], [sflag:$0xB] =	stream.linear.gather @!p2 [hbm4b:s7+s12], $0x80, $0x38;
	[tilespmem:$0x14280] =	vst v63  }
0x85: {  	s10 =	simm.s32 @!p0 $0xA;
	s5 =	sadd.s32 s3, s15  }
0x86: {  	[hbm4b:s5+s4] =	stream.linear.scatter [tilespmem:s16], [sflag:$0x6], $0x4000, $0x38;
	[tilespmem:$0x14280] =	vst v63  }
0x87: {  	_ =	swait.ge @!p0 [sflag:s10], $0x4000  }
0x88: {  	[sflag:s10] =	ssyncset.done @!p0 $0x0  }
0x89: {  	[sflag:s10] =	ssyncadd.s32 @!p0 $0xFFFFC000  }
0x8a: {  	_ =	swait.ge [sflag:s24], $0x80  }
0x8b: {  	[sflag:s24] =	ssyncset.done $0x0  }
0x8c: {  	[sflag:s24] =	ssyncadd.s32 $0xFFFFFF80  }
0x8d: {  	[tilespmem:s25], [sflag:$0x5] =	stream.indirect.gather [hbm4b:s2+s11], $0x80, s14, s11, $0xb8;
	[tilespmem:$0x14280] =	vst v63  }
0x8e: {  	_ =	swait.ge [sflag:s26], $0x4000  }
0x8f: {  	s5 =	simm.s32 @!p2 $0x80;
	[sflag:s26] =	ssyncset.done $0x0  }
0x90: {  	s10 =	sadd.s32 @!p2 $0x60, s9;
	s17 =	rddreg [dreg:$0x5];
	[sflag:s26] =	ssyncadd.s32 $0xFFFFC000  }
0x91: {  	[tilespmem:s5], [sflag:$0xC] =	stream.linear.gather @!p2 [hbm4b:s10+s12], $0x80, $0x38;
	[tilespmem:$0x14280] =	vst v63  }
0x92: {  	s6 =	smov.u32 s8;
	s10 =	sadd.s32 s3, s17  }
0x93: {  	s7 =	smov.u32 s6;
	s6 =	sadd.s32 $0x800, s10  }
0x94: {  	[hbm4b:s6+s4] =	stream.linear.scatter [tilespmem:s18], [sflag:$0x7], $0x4000, $0x38;
	[tilespmem:$0x14280] =	vst v63  }
0x95: {  	_ =	swait.ge [sflag:s28], $0x4000  }
0x96: {  	[sflag:s28] =	ssyncset.done $0x0  }
0x97: {  	s6 =	simm.s32 @p2 $0x3;
	[sflag:s28] =	ssyncadd.s32 $0xFFFFC000  }
0x98: {  	_ =	swait.ge @p2 [sflag:s6], $0x4000  }
0x99: {  	[sflag:s6] =	ssyncset.done @p2 $0x0  }
0x9a: {  	s15 =	simm.s32 @!p2 $0xB;
	[sflag:s6] =	ssyncadd.s32 @p2 $0xFFFFC000  }
0x9b: {  	_ =	swait.ge @!p2 [sflag:s15], $0x80  }
0x9c: {  	[sflag:s15] =	ssyncset.done @!p2 $0x0  }
0x9d: {  	s6 =	simm.s32 @!p2 $0x280;
	[sflag:s15] =	ssyncadd.s32 @!p2 $0xFFFFFF80;
	s15 =	simm.s32 @!p2 $0x3  }
0x9e: {  	[tilespmem:s6], [sflag:$0x1] =	stream.indirect.gather @!p2 [hbm4b:s2+s5], $0x80, s12, s5, $0xb8;
	[tilespmem:$0x14280] =	vst v63  }
0x9f: {  	_ =	swait.ge @!p2 [sflag:s15], $0x4000  }
0xa0: {  	[sflag:s15] =	ssyncset.done @!p2 $0x0  }
0xa1: {  	s17 =	sadd.s32 @!p2 $0x70, s9;
	s6 =	simm.s32 @!p2 $0x100;
	[sflag:s15] =	ssyncadd.s32 @!p2 $0xFFFFC000  }
0xa2: {  	[tilespmem:s6], [sflag:$0xD] =	stream.linear.gather @!p2 [hbm4b:s17+s12], $0x80, $0x38;
	[tilespmem:$0x14280] =	vst v63  }
0xa3: {  	s19 =	sadd.s32 $0x1000, s10  }
0xa4: {  	[hbm4b:s19+s4] =	stream.linear.scatter [tilespmem:s20], [sflag:$0x8], $0x4000, $0x38;
	[tilespmem:$0x14280] =	vst v63  }
0xa5: {  	_ =	swait.ge [sflag:s29], $0x4000  }
0xa6: {  	[sflag:s29] =	ssyncset.done $0x0  }
0xa7: {  	s15 =	simm.s32 @p2 $0x4;
	[sflag:s29] =	ssyncadd.s32 $0xFFFFC000  }
0xa8: {  	_ =	swait.ge @p2 [sflag:s15], $0x4000  }
0xa9: {  	[sflag:s15] =	ssyncset.done @p2 $0x0  }
0xaa: {  	s17 =	simm.s32 @!p2 $0xC;
	[sflag:s15] =	ssyncadd.s32 @p2 $0xFFFFC000  }
0xab: {  	_ =	swait.ge @!p2 [sflag:s17], $0x80  }
0xac: {  	[sflag:s17] =	ssyncset.done @!p2 $0x0  }
0xad: {  	s15 =	simm.s32 @!p2 $0x4280;
	[sflag:s17] =	ssyncadd.s32 @!p2 $0xFFFFFF80;
	s17 =	simm.s32 @!p2 $0x4  }
0xae: {  	[tilespmem:s15], [sflag:$0x2] =	stream.indirect.gather @!p2 [hbm4b:s2+s5], $0x80, s5, s5, $0xb8;
	[tilespmem:$0x14280] =	vst v63  }
0xaf: {  	_ =	swait.ge @!p2 [sflag:s17], $0x4000  }
0xb0: {  	[sflag:s17] =	ssyncset.done @!p2 $0x0  }
0xb1: {  	s19 =	simm.s32 @!p2 $0x180;
	s15 =	sadd.s32 @!p2 $0x80, s9;
	[sflag:s17] =	ssyncadd.s32 @!p2 $0xFFFFC000  }
0xb2: {  	[tilespmem:s19], [sflag:$0xE] =	stream.linear.gather @!p2 [hbm4b:s15+s12], $0x80, $0x38;
	[tilespmem:$0x14280] =	vst v63  }
0xb3: {  	s17 =	sadd.s32 $0x1800, s10  }
0xb4: {  	[hbm4b:s17+s4] =	stream.linear.scatter [tilespmem:s22], [sflag:$0x9], $0x4000, $0x38;
	[tilespmem:$0x14280] =	vst v63  }
0xb5: {  	_ =	swait.ge [sflag:s30], $0x4000  }
0xb6: {  	[sflag:s30] =	ssyncset.done $0x0  }
0xb7: {  	s15 =	simm.s32 @p2 $0x5;
	[sflag:s30] =	ssyncadd.s32 $0xFFFFC000  }
0xb8: {  	_ =	swait.ge @p2 [sflag:s15], $0x4000  }
0xb9: {  	[sflag:s15] =	ssyncset.done @p2 $0x0  }
0xba: {  	s17 =	simm.s32 @!p2 $0xD;
	[sflag:s15] =	ssyncadd.s32 @p2 $0xFFFFC000  }
0xbb: {  	_ =	swait.ge @!p2 [sflag:s17], $0x80  }
0xbc: {  	p3 =	seq.s32 s8, $0x0;
	s8 =	sadd.s32 $0x50, s8;
	[sflag:s17] =	ssyncset.done @!p2 $0x0  }
0xbd: {  	p1 =	sne.s32 s8, $0xC80;
	s15 =	simm.s32 @!p2 $0x8280;
	[sflag:s17] =	ssyncadd.s32 @!p2 $0xFFFFFF80  }
0xbe: {  	[tilespmem:s15], [sflag:$0x3] =	stream.indirect.gather @!p2 [hbm4b:s2+s5], $0x80, s6, s5, $0xb8;
	[tilespmem:$0x14280] =	vst v63  }
.Ltmp0:
0xbf: {  	s17 =	simm.s32 @!p2 $0x5;
	(pc) =	sbr.rel @p1 .LBB2_2-.Ltmp0, $4  }
0xc0: {  	_ =	swait.ge @!p2 [sflag:s17], $0x4000  }
0xc1: {  	p0 =	por p3, p3;
	s6 =	sadd.s32 @!p2 $0x90, s9;
	[sflag:s17] =	ssyncset.done @!p2 $0x0  }
0xc2: {  	s9 =	simm.s32 @!p2 $0x200;
	s5 =	sadd.s32 $0x2000, s10;
	[sflag:s17] =	ssyncadd.s32 @!p2 $0xFFFFC000  }
0xc3: {  	[tilespmem:s9], [sflag:$0xF] =	stream.linear.gather @!p2 [hbm4b:s6+s12], $0x80, $0x38;
	[tilespmem:$0x14280] =	vst v63  }
0xc4: {  	s6 =	simm.s32 @!p0 $0x9  }
0xc5: {  	[hbm4b:s5+s4] =	stream.linear.scatter [tilespmem:s25], [sflag:$0xA], $0x4000, $0x38;
	[tilespmem:$0x14280] =	vst v63  }
0xc6: {  	_ =	swait.ge @!p0 [sflag:s6], $0x4000  }
0xc7: {  	[sflag:s6] =	ssyncset.done @!p0 $0x0  }
0xc8: {  	[sflag:s6] =	ssyncadd.s32 @!p0 $0xFFFFC000  }
0xc9: {  	_ =	swait.ge [sflag:s21], $0x80  }
0xca: {  	[sflag:s21] =	ssyncset.done $0x0  }
0xcb: {  	[sflag:s21] =	ssyncadd.s32 $0xFFFFFF80  }
0xcc: {  	[tilespmem:s22], [sflag:$0x4] =	stream.indirect.gather [hbm4b:s2+s11], $0x80, s13, s11, $0xb8;
	[tilespmem:$0x14280] =	vst v63  }
0xcd: {  	_ =	swait.ge [sflag:s23], $0x4000  }
0xce: {  	s19 =	sadd.s32 $0x2800, s3;
	p1 =	seq.s32 s7, $0xC30;
	s5 =	rddreg [dreg:$0x4]  }
0xcf: {  	[sflag:s23] =	ssyncset.done $0x0;
	s9 =	rddreg [dreg:$0x6];
	s3 =	sadd.s32 @!p1 s7, s5  }
0xd0: {  	[sflag:s23] =	ssyncadd.s32 $0xFFFFC000;
	s5 =	simm.s32 @!p1 $0x0;
	s8 =	sadd.s32 @!p1 $0x50, s3  }
0xd1: {  	[tilespmem:s5], [sflag:$0xB] =	stream.linear.gather @!p1 [hbm4b:s8+s5], $0x80, $0x38;
	[tilespmem:$0x14280] =	vst v63  }
0xd2: {  	s7 =	sadd.s32 s19, s9;
	s8 =	simm.s32 @!p0 $0xA  }
0xd3: {  	[hbm4b:s7+s4] =	stream.linear.scatter [tilespmem:s16], [sflag:$0x6], $0x4000, $0x38;
	[tilespmem:$0x14280] =	vst v63  }
0xd4: {  	_ =	swait.ge @!p0 [sflag:s8], $0x4000  }
0xd5: {  	[sflag:s8] =	ssyncset.done @!p0 $0x0  }
0xd6: {  	[sflag:s8] =	ssyncadd.s32 @!p0 $0xFFFFC000  }
0xd7: {  	_ =	swait.ge [sflag:s24], $0x80  }
0xd8: {  	[sflag:s24] =	ssyncset.done $0x0  }
0xd9: {  	[sflag:s24] =	ssyncadd.s32 $0xFFFFFF80  }
0xda: {  	[tilespmem:s25], [sflag:$0x5] =	stream.indirect.gather [hbm4b:s2+s11], $0x80, s14, s11, $0xb8;
	[tilespmem:$0x14280] =	vst v63  }
0xdb: {  	_ =	swait.ge [sflag:s26], $0x4000  }
0xdc: {  	s9 =	simm.s32 @!p1 $0x80;
	[sflag:s26] =	ssyncset.done $0x0;
	s10 =	rddreg [dreg:$0x5]  }
0xdd: {  	s8 =	sadd.s32 @!p1 $0x60, s3;
	[sflag:s26] =	ssyncadd.s32 $0xFFFFC000;
	s6 =	sadd.s32 s19, s10  }
0xde: {  	[tilespmem:s9], [sflag:$0xC] =	stream.linear.gather @!p1 [hbm4b:s8+s5], $0x80, $0x38;
	[tilespmem:$0x14280] =	vst v63  }
0xdf: {  	s7 =	sadd.s32 $0x800, s6  }
0xe0: {  	[hbm4b:s7+s4] =	stream.linear.scatter [tilespmem:s18], [sflag:$0x7], $0x4000, $0x38;
	[tilespmem:$0x14280] =	vst v63  }
0xe1: {  	_ =	swait.ge [sflag:s28], $0x4000  }
0xe2: {  	[sflag:s28] =	ssyncset.done $0x0  }
0xe3: {  	s7 =	simm.s32 @p1 $0x3;
	[sflag:s28] =	ssyncadd.s32 $0xFFFFC000  }
0xe4: {  	_ =	swait.ge @p1 [sflag:s7], $0x4000  }
0xe5: {  	[sflag:s7] =	ssyncset.done @p1 $0x0  }
0xe6: {  	s8 =	simm.s32 @!p1 $0xB;
	[sflag:s7] =	ssyncadd.s32 @p1 $0xFFFFC000  }
0xe7: {  	_ =	swait.ge @!p1 [sflag:s8], $0x80  }
0xe8: {  	[sflag:s8] =	ssyncset.done @!p1 $0x0  }
0xe9: {  	s7 =	simm.s32 @!p1 $0x280;
	[sflag:s8] =	ssyncadd.s32 @!p1 $0xFFFFFF80;
	s8 =	simm.s32 @!p1 $0x3  }
0xea: {  	[tilespmem:s7], [sflag:$0x1] =	stream.indirect.gather @!p1 [hbm4b:s2+s9], $0x80, s5, s9, $0xb8;
	[tilespmem:$0x14280] =	vst v63  }
0xeb: {  	_ =	swait.ge @!p1 [sflag:s8], $0x4000  }
0xec: {  	[sflag:s8] =	ssyncset.done @!p1 $0x0  }
0xed: {  	s10 =	simm.s32 @!p1 $0x100;
	s7 =	sadd.s32 @!p1 $0x70, s3;
	[sflag:s8] =	ssyncadd.s32 @!p1 $0xFFFFC000  }
0xee: {  	[tilespmem:s10], [sflag:$0xD] =	stream.linear.gather @!p1 [hbm4b:s7+s5], $0x80, $0x38;
	[tilespmem:$0x14280] =	vst v63  }
0xef: {  	s12 =	sadd.s32 $0x1000, s6  }
0xf0: {  	[hbm4b:s12+s4] =	stream.linear.scatter [tilespmem:s20], [sflag:$0x8], $0x4000, $0x38;
	[tilespmem:$0x14280] =	vst v63  }
0xf1: {  	_ =	swait.ge [sflag:s29], $0x4000  }
0xf2: {  	[sflag:s29] =	ssyncset.done $0x0  }
0xf3: {  	s7 =	simm.s32 @p1 $0x4;
	[sflag:s29] =	ssyncadd.s32 $0xFFFFC000  }
0xf4: {  	_ =	swait.ge @p1 [sflag:s7], $0x4000  }
0xf5: {  	[sflag:s7] =	ssyncset.done @p1 $0x0  }
0xf6: {  	s8 =	simm.s32 @!p1 $0xC;
	[sflag:s7] =	ssyncadd.s32 @p1 $0xFFFFC000  }
0xf7: {  	_ =	swait.ge @!p1 [sflag:s8], $0x80  }
0xf8: {  	[sflag:s8] =	ssyncset.done @!p1 $0x0  }
0xf9: {  	s7 =	simm.s32 @!p1 $0x4280;
	[sflag:s8] =	ssyncadd.s32 @!p1 $0xFFFFFF80;
	s8 =	simm.s32 @!p1 $0x4  }
0xfa: {  	[tilespmem:s7], [sflag:$0x2] =	stream.indirect.gather @!p1 [hbm4b:s2+s9], $0x80, s9, s9, $0xb8;
	[tilespmem:$0x14280] =	vst v63  }
0xfb: {  	_ =	swait.ge @!p1 [sflag:s8], $0x4000  }
0xfc: {  	[sflag:s8] =	ssyncset.done @!p1 $0x0  }
0xfd: {  	s7 =	sadd.s32 @!p1 $0x80, s3;
	[sflag:s8] =	ssyncadd.s32 @!p1 $0xFFFFC000;
	s8 =	simm.s32 @!p1 $0x180  }
0xfe: {  	[tilespmem:s8], [sflag:$0xE] =	stream.linear.gather @!p1 [hbm4b:s7+s5], $0x80, $0x38;
	[tilespmem:$0x14280] =	vst v63  }
0xff: {  	s15 =	sadd.s32 $0x1800, s6  }
0x100: {  	[hbm4b:s15+s4] =	stream.linear.scatter [tilespmem:s22], [sflag:$0x9], $0x4000, $0x38;
	[tilespmem:$0x14280] =	vst v63  }
0x101: {  	_ =	swait.ge [sflag:s30], $0x4000  }
0x102: {  	[sflag:s30] =	ssyncset.done $0x0  }
0x103: {  	s7 =	simm.s32 @p1 $0x5;
	[sflag:s30] =	ssyncadd.s32 $0xFFFFC000  }
0x104: {  	_ =	swait.ge @p1 [sflag:s7], $0x4000  }
0x105: {  	[sflag:s7] =	ssyncset.done @p1 $0x0  }
0x106: {  	[sflag:s7] =	ssyncadd.s32 @p1 $0xFFFFC000;
	s7 =	simm.s32 @!p1 $0xD  }
0x107: {  	_ =	swait.ge @!p1 [sflag:s7], $0x80  }
0x108: {  	[sflag:s7] =	ssyncset.done @!p1 $0x0  }
0x109: {  	[sflag:s7] =	ssyncadd.s32 @!p1 $0xFFFFFF80;
	s7 =	simm.s32 @!p1 $0x8280  }
0x10a: {  	[tilespmem:s7], [sflag:$0x3] =	stream.indirect.gather @!p1 [hbm4b:s2+s9], $0x80, s10, s9, $0xb8;
	[tilespmem:$0x14280] =	vst v63  }
0x10b: {  	s7 =	simm.s32 @!p1 $0x5  }
0x10c: {  	_ =	swait.ge @!p1 [sflag:s7], $0x4000  }
0x10d: {  	[sflag:s7] =	ssyncset.done @!p1 $0x0  }
0x10e: {  	s3 =	sadd.s32 @!p1 $0x90, s3;
	[sflag:s7] =	ssyncadd.s32 @!p1 $0xFFFFC000;
	s7 =	simm.s32 @!p1 $0x200  }
0x10f: {  	[tilespmem:s7], [sflag:$0xF] =	stream.linear.gather @!p1 [hbm4b:s3+s5], $0x80, $0x38;
	[tilespmem:$0x14280] =	vst v63  }
0x110: {  	s17 =	sadd.s32 $0x2000, s6  }
0x111: {  	[hbm4b:s17+s4] =	stream.linear.scatter [tilespmem:s25], [sflag:$0xA], $0x4000, $0x38;
	[tilespmem:$0x14280] =	vst v63  }
0x112: {  	_ =	swait.ge [sflag:s31], $0x4000  }
0x113: {  	[sflag:s31] =	ssyncset.done $0x0  }
0x114: {  	[sflag:s31] =	ssyncadd.s32 $0xFFFFC000  }
0x115: {  	_ =	swait.ge [sflag:s1], $0x4000  }
0x116: {  	s0 =	sadd.s32 $0x1, s0;
	s19 =	rddreg [dreg:$0xc]  }
0x117: {  	p0 =	sne.s32 s0, s19  }
.Ltmp1:
0x118: {  	_ = 	snop;
	(pc) =	sbr.rel @p0 .LBB2_1-.Ltmp1, $3  }
0x119: {  	_ =	sdelay $0x1  }
0x11a: {  	[sflag:s1] =	ssyncset.done $0x0  }
0x11b: {  	[sflag:s1] =	ssyncadd.s32 $0xFFFFC000  }
0x11c: {  	_ =	sfence.sel $0x180000  }
0x11d: {  	[bflag:$0x0] =	sbarrier.arrive $0xFFFF  }
0x11e: {  	_ =	strace $0x90000047  }
0x11f: {  	s0 =	stileid.u32;
	[bflag:$0x2] =	sbarrier.arrive $0xFFFF  }
0x120: {  	p0 =	sne.s32 s0, $0x0;
	s0 =	rddreg [dreg:$0x3]  }
0x121: {  	s0 =	sadd.s32 @!p0 $0x100000, s0  }
0x122: {  	[sflag:s0] =	ssyncadd.tile.s32 @!p0 $0x1;
	_ =	shalt  }
.Lfunc_end2:
_tile_overlayer_lowered:
.L_overlay_start_2:
0x123: {  	(tag) =	ssettag $0x2  }
0x124: {  	s0 =	rddreg [dreg:$0x0];
	s2 =	stileid.u32  }
0x125: {  	s1 =	rddreg [dreg:$0x1];
	p0 =	sne.s32 s2, $0x0  }
0x126: {  	s3 =	rddreg [dreg:$0x2];
	[bflag:$0x3] =	sbarrier.arrive $0xFFFF;
	s2 =	simm.s32 @!p0 $0x1C10  }
0x127: {  	[timem:s3], [sflag:s2] =	dma.local @!p0 [hbm:s0], s1  }
0x128: {  	s0 =	simm.s32 @!p0 $0x10  }
0x129: {  	_ =	swait.ge @!p0 [sflag:s0], s1  }
0x12a: {  	s1 =	ssub.s32 @!p0 $0x0, s1;
	[sflag:s0] =	ssyncset.done @!p0 $0x0  }
0x12b: {  	[sflag:s0] =	ssyncadd.s32 @!p0 s1  }
0x12c: {  	[bflag:$0x3] =	sbarrier.arrive $0xFFFF  }
0x12d: {  	_ =	shalt  }

</sc_bundles>
